<compile_context>
chip_gen: v7x
topology: tpu7x:2x2x1
jax: 0.10.2.dev20260603
libtpu: 0.0.44.dev20260713+nightly
codegen_flags: <defaults>
</compile_context>

<pallas_src>
import functools

import jax
import jax.numpy as jnp
from jax import lax
from jax.experimental import pallas as pl
from jax.experimental.pallas import tpu as pltpu
from jax.experimental.pallas import tpu_sc as plsc

NW = 32
CH = 128


def _gather_call(b, l, d2):
    bw = b // NW
    hw = bw // 2
    mesh = plsc.VectorSubcoreMesh(core_axis_name="c", subcore_axis_name="s")

    lp = 256

    @functools.partial(
        pl.kernel,
        mesh=mesh,
        out_type=jax.ShapeDtypeStruct((b, l, d2), jnp.float32),
        scratch_types=[
            pltpu.VMEM((hw, lp), jnp.int32),
            pltpu.VMEM((l, d2), jnp.float32),
            pltpu.VMEM((l, d2), jnp.float32),
            pltpu.VMEM((l, d2), jnp.float32),
            pltpu.VMEM((l, d2), jnp.float32),
            pltpu.SemaphoreType.DMA,
            pltpu.SemaphoreType.DMA,
            pltpu.SemaphoreType.DMA,
            pltpu.SemaphoreType.DMA,
            pltpu.SemaphoreType.DMA,
            pltpu.SemaphoreType.DMA,
            pltpu.SemaphoreType.DMA,
            pltpu.SemaphoreType.DMA,
        ],
    )
    def k(x_hbm, tpad_hbm, out_hbm, idxh, rows0, rows1, rows2, rows3,
          sg0, sg1, sg2, sg3, so0, so1, so2, so3):
        wid = lax.axis_index("s") * 2 + lax.axis_index("c")
        blo = wid * bw
        rows = (rows0, rows1, rows2, rows3)
        sg = (sg0, sg1, sg2, sg3)
        so = (so0, so1, so2, so3)

        def stage_idx(half):
            pltpu.sync_copy(x_hbm.at[pl.ds(blo + half * hw, hw)], idxh)

        def fire_gathers(s, r):
            q = r & (hw - 1)
            pltpu.async_copy(
                tpad_hbm.at[idxh.at[q, pl.ds(0, CH)]],
                rows[s].at[pl.ds(0, CH)],
                sg[s],
            )
            pltpu.async_copy(
                tpad_hbm.at[idxh.at[q, pl.ds(CH, l - CH)]],
                rows[s].at[pl.ds(CH, l - CH)],
                sg[s],
            )

        def wait_gathers(s):
            pltpu.make_async_copy(
                tpad_hbm.at[pl.ds(0, l)], rows[s], sg[s]
            ).wait()

        def fire_out(s, r):
            pltpu.async_copy(rows[s], out_hbm.at[blo + r], so[s])

        def wait_out(s):
            pltpu.make_async_copy(rows[s], out_hbm.at[blo], so[s]).wait()

        def step(r, s):
            s3 = (s + 3) % 4
            wait_out(s3)
            fire_gathers(s3, r + 3)
            wait_gathers(s)
            fire_out(s, r)

        stage_idx(0)
        for r0 in range(4):
            fire_gathers(r0 % 4, r0)
        wait_gathers(0)
        fire_out(0, 0)

        def quad_body1(t, carry):
            r = 1 + 4 * t
            for kk in range(4):
                step(r + kk, (1 + kk) % 4)
            return carry

        lax.fori_loop(0, (hw - 4) // 4, quad_body1, 0)

        for r in range(hw - 3, hw):
            s = r % 4
            wait_gathers(s)
            fire_out(s, r)
        stage_idx(1)
        for r in range(hw, hw + 3):
            s = r % 4
            wait_out(s)
            fire_gathers(s, r)

        def quad_body2(t, carry):
            r = hw + 4 * t
            for kk in range(4):
                step(r + kk, (hw + kk) % 4)
            return carry

        lax.fori_loop(0, (bw - hw - 4) // 4, quad_body2, 0)

        step(bw - 4, (bw - 4) % 4)
        for r in range(bw - 3, bw):
            s = r % 4
            wait_gathers(s)
            fire_out(s, r)
        for s in range(4):
            wait_out(s)

    return k


def kernel(x, table):
    b, l = x.shape
    d = table.shape[1]
    tpad = jnp.pad(table, ((0, 0), (0, d)))
    xpad = jnp.pad(x.astype(jnp.int32), ((0, 0), (0, 256 - l)))
    out1 = _gather_call(b, l, 2 * d)(xpad, tpad)
    return out1[..., :d]

# --- scband reference (transcript-rebuilt; emitter-appended) ---
"""Pipeline reference for scband-token-embedding-28870770164276 (READ-ONLY COPY).

The authoritative reference and input builder live on the scoring server;
editing this copy changes nothing except your own understanding.
"""

import jax, jax.numpy as jnp
import numpy as np

VOCAB = 1000000
DIM = 64
B = 4096
L = 200

def setup_inputs(seed: int = 0) -> dict:
    key = jax.random.key(seed)
    k1, k2 = jax.random.split(key)
    x = jax.random.randint(k1, (B, L), 0, VOCAB, dtype=jnp.int64 if jax.config.jax_enable_x64 else jnp.int32)
    table = jax.random.normal(k2, (VOCAB, DIM), dtype=jnp.float32) * 0.02
    return {"x": x, "table": table}

def reference(x, table):
    # nn.Embedding forward: gather rows of the embedding table
    return jnp.take(table, x, axis=0)

if __name__ == "__main__":
    import jax
    _d = setup_inputs()
    print(jax.jit(kernel)(*tuple(_d.values())))

</pallas_src>

<mosaic_0001>
#map = affine_map<(d0, d1) -> (0, 0)>
#map1 = affine_map<(d0, d1) -> (0, 0, 0)>
module attributes {stable_mosaic.version = 14 : i64} {
  func.func @k(%arg0: i32, %arg1: i32, %arg2: memref<4096x256xi32, #tpu.memory_space<hbm>>, %arg3: memref<1000000x128xf32, #tpu.memory_space<hbm>>, %arg4: memref<4096x200x128xf32, #tpu.memory_space<hbm>>, %arg5: memref<64x256xi32, #tpu.memory_space<vmem>>, %arg6: memref<200x128xf32, #tpu.memory_space<vmem>>, %arg7: memref<200x128xf32, #tpu.memory_space<vmem>>, %arg8: memref<200x128xf32, #tpu.memory_space<vmem>>, %arg9: memref<200x128xf32, #tpu.memory_space<vmem>>, %arg10: memref<!tpu.dma_semaphore, #tpu.memory_space<semaphore_mem>>, %arg11: memref<!tpu.dma_semaphore, #tpu.memory_space<semaphore_mem>>, %arg12: memref<!tpu.dma_semaphore, #tpu.memory_space<semaphore_mem>>, %arg13: memref<!tpu.dma_semaphore, #tpu.memory_space<semaphore_mem>>, %arg14: memref<!tpu.dma_semaphore, #tpu.memory_space<semaphore_mem>>, %arg15: memref<!tpu.dma_semaphore, #tpu.memory_space<semaphore_mem>>, %arg16: memref<!tpu.dma_semaphore, #tpu.memory_space<semaphore_mem>>, %arg17: memref<!tpu.dma_semaphore, #tpu.memory_space<semaphore_mem>>) attributes {dimension_semantics = [#tpu.dimension_semantics<core_parallel>, #tpu.dimension_semantics<subcore_parallel>], iteration_bounds = array<i64: 2, 16>, scalar_prefetch = 0 : i64, scratch_operands = 13 : i64, tpu.core_type = #tpu.core_type<sc_vector_subcore>, window_params = [{transform_indices = #map}, {transform_indices = #map}, {transform_indices = #map1}]} {
    %mul3A = arith.constant 2 : i32
    %mul3A_0 = arith.muli %arg1, %mul3A : i32
    %add3A = arith.addi %mul3A_0, %arg0 : i32
    %mul3A_1 = arith.constant 128 : i32
    %mul3A_2 = arith.muli %add3A, %mul3A_1 : i32
    %add3A_3 = arith.constant 0 : i32
    %add3A_4 = arith.addi %mul3A_2, %add3A_3 : i32
    "tpu.region"() ({
      %run_scoped3A = tpu.sem_alloc : memref<!tpu.dma_semaphore, #tpu.memory_space<semaphore_mem>>
      %dma_start3A_368 = arith.constant 0 : i32
      %dma_start3A_369 = tpu.memref_slice %arg2[%add3A_4, %dma_start3A_368] : memref<4096x256xi32, #tpu.memory_space<hbm>> -> memref<64x256xi32, #tpu.memory_space<hbm>>
      %dma_start3A_370 = arith.constant 0 : i32
      %dma_start3A_371 = tpu.memref_slice %arg2[%add3A_4, %dma_start3A_370] : memref<4096x256xi32, #tpu.memory_space<hbm>> -> memref<64x256xi32, #tpu.memory_space<hbm>>
      tpu.enqueue_dma source(%dma_start3A_371 : memref<64x256xi32, #tpu.memory_space<hbm>>) target(%arg5 : memref<64x256xi32, #tpu.memory_space<vmem>>) target_semaphore(%run_scoped3A : memref<!tpu.dma_semaphore, #tpu.memory_space<semaphore_mem>>)
      %dma_wait3A_372 = arith.constant 0 : i32
      %dma_wait3A_373 = tpu.memref_slice %arg2[%add3A_4, %dma_wait3A_372] : memref<4096x256xi32, #tpu.memory_space<hbm>> -> memref<64x256xi32, #tpu.memory_space<hbm>>
      %dma_wait3A_374 = arith.constant 0 : i32
      %dma_wait3A_375 = tpu.memref_slice %arg2[%add3A_4, %dma_wait3A_374] : memref<4096x256xi32, #tpu.memory_space<hbm>> -> memref<64x256xi32, #tpu.memory_space<hbm>>
      tpu.wait_dma2 semaphore(%run_scoped3A : memref<!tpu.dma_semaphore, #tpu.memory_space<semaphore_mem>>) src(%dma_wait3A_375 : memref<64x256xi32, #tpu.memory_space<hbm>>) dst(%arg5 : memref<64x256xi32, #tpu.memory_space<vmem>>)
      tpu.yield
    }) : () -> ()
    %dma_start3A = arith.constant 0 : i32
    %dma_start3A_5 = arith.constant 0 : i32
    %dma_start3A_6 = arith.constant 0 : i32
    %dma_start3A_7 = tpu.memref_slice %arg6[%dma_start3A_5, %dma_start3A_6] : memref<200x128xf32, #tpu.memory_space<vmem>> -> memref<128x128xf32, #tpu.memory_space<vmem>>
    %dma_start3A_8 = arith.constant 0 : i32
    %dma_start3A_9 = tpu.memref_slice %arg5[%dma_start3A, %dma_start3A_8] : memref<64x256xi32, #tpu.memory_space<vmem>> -> memref<1x128xi32, #tpu.memory_space<vmem>>
    %dma_start3A_10 = tpu.memref_squeeze %dma_start3A_9 : memref<1x128xi32, #tpu.memory_space<vmem>> -> memref<128xi32, #tpu.memory_space<vmem>>
    %dma_start3A_11 = arith.constant 0 : i32
    %dma_start3A_12 = arith.constant 0 : i32
    %dma_start3A_13 = tpu.memref_slice %arg3[%dma_start3A_11, %dma_start3A_12] : memref<1000000x128xf32, #tpu.memory_space<hbm>> -> memref<1000000x128xf32, #tpu.memory_space<hbm>>
    tpu.enqueue_indirect_dma source(%dma_start3A_13 : memref<1000000x128xf32, #tpu.memory_space<hbm>>) target(%dma_start3A_7 : memref<128x128xf32, #tpu.memory_space<vmem>>) offsets(%dma_start3A_10 : memref<128xi32, #tpu.memory_space<vmem>>) semaphore(%arg10 : memref<!tpu.dma_semaphore, #tpu.memory_space<semaphore_mem>>)
    %dma_start3A_14 = arith.constant 0 : i32
    %dma_start3A_15 = arith.constant 128 : i32
    %dma_start3A_16 = arith.constant 0 : i32
    %dma_start3A_17 = tpu.memref_slice %arg6[%dma_start3A_15, %dma_start3A_16] : memref<200x128xf32, #tpu.memory_space<vmem>> -> memref<72x128xf32, #tpu.memory_space<vmem>>
    %dma_start3A_18 = arith.constant 128 : i32
    %dma_start3A_19 = tpu.memref_slice %arg5[%dma_start3A_14, %dma_start3A_18] : memref<64x256xi32, #tpu.memory_space<vmem>> -> memref<1x72xi32, #tpu.memory_space<vmem>>
    %dma_start3A_20 = tpu.memref_squeeze %dma_start3A_19 : memref<1x72xi32, #tpu.memory_space<vmem>> -> memref<72xi32, #tpu.memory_space<vmem>>
    %dma_start3A_21 = arith.constant 0 : i32
    %dma_start3A_22 = arith.constant 0 : i32
    %dma_start3A_23 = tpu.memref_slice %arg3[%dma_start3A_21, %dma_start3A_22] : memref<1000000x128xf32, #tpu.memory_space<hbm>> -> memref<1000000x128xf32, #tpu.memory_space<hbm>>
    tpu.enqueue_indirect_dma source(%dma_start3A_23 : memref<1000000x128xf32, #tpu.memory_space<hbm>>) target(%dma_start3A_17 : memref<72x128xf32, #tpu.memory_space<vmem>>) offsets(%dma_start3A_20 : memref<72xi32, #tpu.memory_space<vmem>>) semaphore(%arg10 : memref<!tpu.dma_semaphore, #tpu.memory_space<semaphore_mem>>)
    %dma_start3A_24 = arith.constant 1 : i32
    %dma_start3A_25 = arith.constant 0 : i32
    %dma_start3A_26 = arith.constant 0 : i32
    %dma_start3A_27 = tpu.memref_slice %arg7[%dma_start3A_25, %dma_start3A_26] : memref<200x128xf32, #tpu.memory_space<vmem>> -> memref<128x128xf32, #tpu.memory_space<vmem>>
    %dma_start3A_28 = arith.constant 0 : i32
    %dma_start3A_29 = tpu.memref_slice %arg5[%dma_start3A_24, %dma_start3A_28] : memref<64x256xi32, #tpu.memory_space<vmem>> -> memref<1x128xi32, #tpu.memory_space<vmem>>
    %dma_start3A_30 = tpu.memref_squeeze %dma_start3A_29 : memref<1x128xi32, #tpu.memory_space<vmem>> -> memref<128xi32, #tpu.memory_space<vmem>>
    %dma_start3A_31 = arith.constant 0 : i32
    %dma_start3A_32 = arith.constant 0 : i32
    %dma_start3A_33 = tpu.memref_slice %arg3[%dma_start3A_31, %dma_start3A_32] : memref<1000000x128xf32, #tpu.memory_space<hbm>> -> memref<1000000x128xf32, #tpu.memory_space<hbm>>
    tpu.enqueue_indirect_dma source(%dma_start3A_33 : memref<1000000x128xf32, #tpu.memory_space<hbm>>) target(%dma_start3A_27 : memref<128x128xf32, #tpu.memory_space<vmem>>) offsets(%dma_start3A_30 : memref<128xi32, #tpu.memory_space<vmem>>) semaphore(%arg11 : memref<!tpu.dma_semaphore, #tpu.memory_space<semaphore_mem>>)
    %dma_start3A_34 = arith.constant 1 : i32
    %dma_start3A_35 = arith.constant 128 : i32
    %dma_start3A_36 = arith.constant 0 : i32
    %dma_start3A_37 = tpu.memref_slice %arg7[%dma_start3A_35, %dma_start3A_36] : memref<200x128xf32, #tpu.memory_space<vmem>> -> memref<72x128xf32, #tpu.memory_space<vmem>>
    %dma_start3A_38 = arith.constant 128 : i32
    %dma_start3A_39 = tpu.memref_slice %arg5[%dma_start3A_34, %dma_start3A_38] : memref<64x256xi32, #tpu.memory_space<vmem>> -> memref<1x72xi32, #tpu.memory_space<vmem>>
    %dma_start3A_40 = tpu.memref_squeeze %dma_start3A_39 : memref<1x72xi32, #tpu.memory_space<vmem>> -> memref<72xi32, #tpu.memory_space<vmem>>
    %dma_start3A_41 = arith.constant 0 : i32
    %dma_start3A_42 = arith.constant 0 : i32
    %dma_start3A_43 = tpu.memref_slice %arg3[%dma_start3A_41, %dma_start3A_42] : memref<1000000x128xf32, #tpu.memory_space<hbm>> -> memref<1000000x128xf32, #tpu.memory_space<hbm>>
    tpu.enqueue_indirect_dma source(%dma_start3A_43 : memref<1000000x128xf32, #tpu.memory_space<hbm>>) target(%dma_start3A_37 : memref<72x128xf32, #tpu.memory_space<vmem>>) offsets(%dma_start3A_40 : memref<72xi32, #tpu.memory_space<vmem>>) semaphore(%arg11 : memref<!tpu.dma_semaphore, #tpu.memory_space<semaphore_mem>>)
    %dma_start3A_44 = arith.constant 2 : i32
    %dma_start3A_45 = arith.constant 0 : i32
    %dma_start3A_46 = arith.constant 0 : i32
    %dma_start3A_47 = tpu.memref_slice %arg8[%dma_start3A_45, %dma_start3A_46] : memref<200x128xf32, #tpu.memory_space<vmem>> -> memref<128x128xf32, #tpu.memory_space<vmem>>
    %dma_start3A_48 = arith.constant 0 : i32
    %dma_start3A_49 = tpu.memref_slice %arg5[%dma_start3A_44, %dma_start3A_48] : memref<64x256xi32, #tpu.memory_space<vmem>> -> memref<1x128xi32, #tpu.memory_space<vmem>>
    %dma_start3A_50 = tpu.memref_squeeze %dma_start3A_49 : memref<1x128xi32, #tpu.memory_space<vmem>> -> memref<128xi32, #tpu.memory_space<vmem>>
    %dma_start3A_51 = arith.constant 0 : i32
    %dma_start3A_52 = arith.constant 0 : i32
    %dma_start3A_53 = tpu.memref_slice %arg3[%dma_start3A_51, %dma_start3A_52] : memref<1000000x128xf32, #tpu.memory_space<hbm>> -> memref<1000000x128xf32, #tpu.memory_space<hbm>>
    tpu.enqueue_indirect_dma source(%dma_start3A_53 : memref<1000000x128xf32, #tpu.memory_space<hbm>>) target(%dma_start3A_47 : memref<128x128xf32, #tpu.memory_space<vmem>>) offsets(%dma_start3A_50 : memref<128xi32, #tpu.memory_space<vmem>>) semaphore(%arg12 : memref<!tpu.dma_semaphore, #tpu.memory_space<semaphore_mem>>)
    %dma_start3A_54 = arith.constant 2 : i32
    %dma_start3A_55 = arith.constant 128 : i32
    %dma_start3A_56 = arith.constant 0 : i32
    %dma_start3A_57 = tpu.memref_slice %arg8[%dma_start3A_55, %dma_start3A_56] : memref<200x128xf32, #tpu.memory_space<vmem>> -> memref<72x128xf32, #tpu.memory_space<vmem>>
    %dma_start3A_58 = arith.constant 128 : i32
    %dma_start3A_59 = tpu.memref_slice %arg5[%dma_start3A_54, %dma_start3A_58] : memref<64x256xi32, #tpu.memory_space<vmem>> -> memref<1x72xi32, #tpu.memory_space<vmem>>
    %dma_start3A_60 = tpu.memref_squeeze %dma_start3A_59 : memref<1x72xi32, #tpu.memory_space<vmem>> -> memref<72xi32, #tpu.memory_space<vmem>>
    %dma_start3A_61 = arith.constant 0 : i32
    %dma_start3A_62 = arith.constant 0 : i32
    %dma_start3A_63 = tpu.memref_slice %arg3[%dma_start3A_61, %dma_start3A_62] : memref<1000000x128xf32, #tpu.memory_space<hbm>> -> memref<1000000x128xf32, #tpu.memory_space<hbm>>
    tpu.enqueue_indirect_dma source(%dma_start3A_63 : memref<1000000x128xf32, #tpu.memory_space<hbm>>) target(%dma_start3A_57 : memref<72x128xf32, #tpu.memory_space<vmem>>) offsets(%dma_start3A_60 : memref<72xi32, #tpu.memory_space<vmem>>) semaphore(%arg12 : memref<!tpu.dma_semaphore, #tpu.memory_space<semaphore_mem>>)
    %dma_start3A_64 = arith.constant 3 : i32
    %dma_start3A_65 = arith.constant 0 : i32
    %dma_start3A_66 = arith.constant 0 : i32
    %dma_start3A_67 = tpu.memref_slice %arg9[%dma_start3A_65, %dma_start3A_66] : memref<200x128xf32, #tpu.memory_space<vmem>> -> memref<128x128xf32, #tpu.memory_space<vmem>>
    %dma_start3A_68 = arith.constant 0 : i32
    %dma_start3A_69 = tpu.memref_slice %arg5[%dma_start3A_64, %dma_start3A_68] : memref<64x256xi32, #tpu.memory_space<vmem>> -> memref<1x128xi32, #tpu.memory_space<vmem>>
    %dma_start3A_70 = tpu.memref_squeeze %dma_start3A_69 : memref<1x128xi32, #tpu.memory_space<vmem>> -> memref<128xi32, #tpu.memory_space<vmem>>
    %dma_start3A_71 = arith.constant 0 : i32
    %dma_start3A_72 = arith.constant 0 : i32
    %dma_start3A_73 = tpu.memref_slice %arg3[%dma_start3A_71, %dma_start3A_72] : memref<1000000x128xf32, #tpu.memory_space<hbm>> -> memref<1000000x128xf32, #tpu.memory_space<hbm>>
    tpu.enqueue_indirect_dma source(%dma_start3A_73 : memref<1000000x128xf32, #tpu.memory_space<hbm>>) target(%dma_start3A_67 : memref<128x128xf32, #tpu.memory_space<vmem>>) offsets(%dma_start3A_70 : memref<128xi32, #tpu.memory_space<vmem>>) semaphore(%arg13 : memref<!tpu.dma_semaphore, #tpu.memory_space<semaphore_mem>>)
    %dma_start3A_74 = arith.constant 3 : i32
    %dma_start3A_75 = arith.constant 128 : i32
    %dma_start3A_76 = arith.constant 0 : i32
    %dma_start3A_77 = tpu.memref_slice %arg9[%dma_start3A_75, %dma_start3A_76] : memref<200x128xf32, #tpu.memory_space<vmem>> -> memref<72x128xf32, #tpu.memory_space<vmem>>
    %dma_start3A_78 = arith.constant 128 : i32
    %dma_start3A_79 = tpu.memref_slice %arg5[%dma_start3A_74, %dma_start3A_78] : memref<64x256xi32, #tpu.memory_space<vmem>> -> memref<1x72xi32, #tpu.memory_space<vmem>>
    %dma_start3A_80 = tpu.memref_squeeze %dma_start3A_79 : memref<1x72xi32, #tpu.memory_space<vmem>> -> memref<72xi32, #tpu.memory_space<vmem>>
    %dma_start3A_81 = arith.constant 0 : i32
    %dma_start3A_82 = arith.constant 0 : i32
    %dma_start3A_83 = tpu.memref_slice %arg3[%dma_start3A_81, %dma_start3A_82] : memref<1000000x128xf32, #tpu.memory_space<hbm>> -> memref<1000000x128xf32, #tpu.memory_space<hbm>>
    tpu.enqueue_indirect_dma source(%dma_start3A_83 : memref<1000000x128xf32, #tpu.memory_space<hbm>>) target(%dma_start3A_77 : memref<72x128xf32, #tpu.memory_space<vmem>>) offsets(%dma_start3A_80 : memref<72xi32, #tpu.memory_space<vmem>>) semaphore(%arg13 : memref<!tpu.dma_semaphore, #tpu.memory_space<semaphore_mem>>)
    %dma_wait3A = arith.constant 0 : i32
    %dma_wait3A_84 = arith.constant 0 : i32
    %dma_wait3A_85 = tpu.memref_slice %arg3[%dma_wait3A, %dma_wait3A_84] : memref<1000000x128xf32, #tpu.memory_space<hbm>> -> memref<200x128xf32, #tpu.memory_space<hbm>>
    %dma_wait3A_86 = arith.constant 0 : i32
    %dma_wait3A_87 = arith.constant 0 : i32
    %dma_wait3A_88 = tpu.memref_slice %arg3[%dma_wait3A_86, %dma_wait3A_87] : memref<1000000x128xf32, #tpu.memory_space<hbm>> -> memref<200x128xf32, #tpu.memory_space<hbm>>
    tpu.wait_dma2 semaphore(%arg10 : memref<!tpu.dma_semaphore, #tpu.memory_space<semaphore_mem>>) src(%dma_wait3A_88 : memref<200x128xf32, #tpu.memory_space<hbm>>) dst(%arg6 : memref<200x128xf32, #tpu.memory_space<vmem>>)
    %add3A_89 = arith.constant 0 : i32
    %add3A_90 = arith.addi %mul3A_2, %add3A_89 : i32
    %dma_start3A_91 = arith.constant 0 : i32
    %dma_start3A_92 = arith.constant 0 : i32
    %dma_start3A_93 = tpu.memref_slice %arg4[%add3A_90, %dma_start3A_91, %dma_start3A_92] : memref<4096x200x128xf32, #tpu.memory_space<hbm>> -> memref<1x200x128xf32, #tpu.memory_space<hbm>>
    %dma_start3A_94 = tpu.memref_squeeze %dma_start3A_93 : memref<1x200x128xf32, #tpu.memory_space<hbm>> -> memref<200x128xf32, #tpu.memory_space<hbm>>
    %dma_start3A_95 = arith.constant 0 : i32
    %dma_start3A_96 = arith.constant 0 : i32
    %dma_start3A_97 = tpu.memref_slice %arg4[%add3A_90, %dma_start3A_95, %dma_start3A_96] : memref<4096x200x128xf32, #tpu.memory_space<hbm>> -> memref<1x200x128xf32, #tpu.memory_space<hbm>>
    %dma_start3A_98 = tpu.memref_squeeze %dma_start3A_97 : memref<1x200x128xf32, #tpu.memory_space<hbm>> -> memref<200x128xf32, #tpu.memory_space<hbm>>
    tpu.enqueue_dma source(%arg6 : memref<200x128xf32, #tpu.memory_space<vmem>>) target(%dma_start3A_98 : memref<200x128xf32, #tpu.memory_space<hbm>>) target_semaphore(%arg14 : memref<!tpu.dma_semaphore, #tpu.memory_space<semaphore_mem>>)
    %scan3A = arith.constant 0 : i32
    %scan3A_99 = arith.constant 0 : i32
    %scan3A_100 = arith.constant 15 : i32
    %scan3A_101 = arith.addi %scan3A_99, %scan3A_100 : i32
    %scan3A_102 = arith.constant 1 : i32
    scf.for %scan3A_368 = %scan3A_99 to %scan3A_101 step %scan3A_102  : i32 {
      %mul3A_369 = arith.constant 4 : i32
      %mul3A_370 = arith.muli %mul3A_369, %scan3A_368 : i32
      %add3A_371 = arith.constant 1 : i32
      %add3A_372 = arith.addi %add3A_371, %mul3A_370 : i32
      %add3A_373 = arith.constant 0 : i32
      %add3A_374 = arith.addi %add3A_372, %add3A_373 : i32
      %dma_wait3A_375 = arith.constant 0 : i32
      %dma_wait3A_376 = arith.constant 0 : i32
      %dma_wait3A_377 = tpu.memref_slice %arg4[%mul3A_2, %dma_wait3A_375, %dma_wait3A_376] : memref<4096x200x128xf32, #tpu.memory_space<hbm>> -> memref<1x200x128xf32, #tpu.memory_space<hbm>>
      %dma_wait3A_378 = tpu.memref_squeeze %dma_wait3A_377 : memref<1x200x128xf32, #tpu.memory_space<hbm>> -> memref<200x128xf32, #tpu.memory_space<hbm>>
      %dma_wait3A_379 = arith.constant 0 : i32
      %dma_wait3A_380 = arith.constant 0 : i32
      %dma_wait3A_381 = tpu.memref_slice %arg4[%mul3A_2, %dma_wait3A_379, %dma_wait3A_380] : memref<4096x200x128xf32, #tpu.memory_space<hbm>> -> memref<1x200x128xf32, #tpu.memory_space<hbm>>
      %dma_wait3A_382 = tpu.memref_squeeze %dma_wait3A_381 : memref<1x200x128xf32, #tpu.memory_space<hbm>> -> memref<200x128xf32, #tpu.memory_space<hbm>>
      tpu.wait_dma2 semaphore(%arg14 : memref<!tpu.dma_semaphore, #tpu.memory_space<semaphore_mem>>) src(%arg6 : memref<200x128xf32, #tpu.memory_space<vmem>>) dst(%dma_wait3A_382 : memref<200x128xf32, #tpu.memory_space<hbm>>)
      %add3A_383 = arith.constant 3 : i32
      %add3A_384 = arith.addi %add3A_374, %add3A_383 : i32
      %and3A = arith.constant 63 : i32
      %and3A_385 = arith.andi %add3A_384, %and3A : i32
      %dma_start3A_386 = arith.constant 0 : i32
      %dma_start3A_387 = arith.constant 0 : i32
      %dma_start3A_388 = tpu.memref_slice %arg6[%dma_start3A_386, %dma_start3A_387] : memref<200x128xf32, #tpu.memory_space<vmem>> -> memref<128x128xf32, #tpu.memory_space<vmem>>
      %dma_start3A_389 = arith.constant 0 : i32
      %dma_start3A_390 = tpu.memref_slice %arg5[%and3A_385, %dma_start3A_389] : memref<64x256xi32, #tpu.memory_space<vmem>> -> memref<1x128xi32, #tpu.memory_space<vmem>>
      %dma_start3A_391 = tpu.memref_squeeze %dma_start3A_390 : memref<1x128xi32, #tpu.memory_space<vmem>> -> memref<128xi32, #tpu.memory_space<vmem>>
      %dma_start3A_392 = arith.constant 0 : i32
      %dma_start3A_393 = arith.constant 0 : i32
      %dma_start3A_394 = tpu.memref_slice %arg3[%dma_start3A_392, %dma_start3A_393] : memref<1000000x128xf32, #tpu.memory_space<hbm>> -> memref<1000000x128xf32, #tpu.memory_space<hbm>>
      tpu.enqueue_indirect_dma source(%dma_start3A_394 : memref<1000000x128xf32, #tpu.memory_space<hbm>>) target(%dma_start3A_388 : memref<128x128xf32, #tpu.memory_space<vmem>>) offsets(%dma_start3A_391 : memref<128xi32, #tpu.memory_space<vmem>>) semaphore(%arg10 : memref<!tpu.dma_semaphore, #tpu.memory_space<semaphore_mem>>)
      %dma_start3A_395 = arith.constant 128 : i32
      %dma_start3A_396 = arith.constant 0 : i32
      %dma_start3A_397 = tpu.memref_slice %arg6[%dma_start3A_395, %dma_start3A_396] : memref<200x128xf32, #tpu.memory_space<vmem>> -> memref<72x128xf32, #tpu.memory_space<vmem>>
      %dma_start3A_398 = arith.constant 128 : i32
      %dma_start3A_399 = tpu.memref_slice %arg5[%and3A_385, %dma_start3A_398] : memref<64x256xi32, #tpu.memory_space<vmem>> -> memref<1x72xi32, #tpu.memory_space<vmem>>
      %dma_start3A_400 = tpu.memref_squeeze %dma_start3A_399 : memref<1x72xi32, #tpu.memory_space<vmem>> -> memref<72xi32, #tpu.memory_space<vmem>>
      %dma_start3A_401 = arith.constant 0 : i32
      %dma_start3A_402 = arith.constant 0 : i32
      %dma_start3A_403 = tpu.memref_slice %arg3[%dma_start3A_401, %dma_start3A_402] : memref<1000000x128xf32, #tpu.memory_space<hbm>> -> memref<1000000x128xf32, #tpu.memory_space<hbm>>
      tpu.enqueue_indirect_dma source(%dma_start3A_403 : memref<1000000x128xf32, #tpu.memory_space<hbm>>) target(%dma_start3A_397 : memref<72x128xf32, #tpu.memory_space<vmem>>) offsets(%dma_start3A_400 : memref<72xi32, #tpu.memory_space<vmem>>) semaphore(%arg10 : memref<!tpu.dma_semaphore, #tpu.memory_space<semaphore_mem>>)
      %dma_wait3A_404 = arith.constant 0 : i32
      %dma_wait3A_405 = arith.constant 0 : i32
      %dma_wait3A_406 = tpu.memref_slice %arg3[%dma_wait3A_404, %dma_wait3A_405] : memref<1000000x128xf32, #tpu.memory_space<hbm>> -> memref<200x128xf32, #tpu.memory_space<hbm>>
      %dma_wait3A_407 = arith.constant 0 : i32
      %dma_wait3A_408 = arith.constant 0 : i32
      %dma_wait3A_409 = tpu.memref_slice %arg3[%dma_wait3A_407, %dma_wait3A_408] : memref<1000000x128xf32, #tpu.memory_space<hbm>> -> memref<200x128xf32, #tpu.memory_space<hbm>>
      tpu.wait_dma2 semaphore(%arg11 : memref<!tpu.dma_semaphore, #tpu.memory_space<semaphore_mem>>) src(%dma_wait3A_409 : memref<200x128xf32, #tpu.memory_space<hbm>>) dst(%arg7 : memref<200x128xf32, #tpu.memory_space<vmem>>)
      %add3A_410 = arith.addi %mul3A_2, %add3A_374 : i32
      %dma_start3A_411 = arith.constant 0 : i32
      %dma_start3A_412 = arith.constant 0 : i32
      %dma_start3A_413 = tpu.memref_slice %arg4[%add3A_410, %dma_start3A_411, %dma_start3A_412] : memref<4096x200x128xf32, #tpu.memory_space<hbm>> -> memref<1x200x128xf32, #tpu.memory_space<hbm>>
      %dma_start3A_414 = tpu.memref_squeeze %dma_start3A_413 : memref<1x200x128xf32, #tpu.memory_space<hbm>> -> memref<200x128xf32, #tpu.memory_space<hbm>>
      %dma_start3A_415 = arith.constant 0 : i32
      %dma_start3A_416 = arith.constant 0 : i32
      %dma_start3A_417 = tpu.memref_slice %arg4[%add3A_410, %dma_start3A_415, %dma_start3A_416] : memref<4096x200x128xf32, #tpu.memory_space<hbm>> -> memref<1x200x128xf32, #tpu.memory_space<hbm>>
      %dma_start3A_418 = tpu.memref_squeeze %dma_start3A_417 : memref<1x200x128xf32, #tpu.memory_space<hbm>> -> memref<200x128xf32, #tpu.memory_space<hbm>>
      tpu.enqueue_dma source(%arg7 : memref<200x128xf32, #tpu.memory_space<vmem>>) target(%dma_start3A_418 : memref<200x128xf32, #tpu.memory_space<hbm>>) target_semaphore(%arg15 : memref<!tpu.dma_semaphore, #tpu.memory_space<semaphore_mem>>)
      %add3A_419 = arith.constant 1 : i32
      %add3A_420 = arith.addi %add3A_372, %add3A_419 : i32
      %dma_wait3A_421 = arith.constant 0 : i32
      %dma_wait3A_422 = arith.constant 0 : i32
      %dma_wait3A_423 = tpu.memref_slice %arg4[%mul3A_2, %dma_wait3A_421, %dma_wait3A_422] : memref<4096x200x128xf32, #tpu.memory_space<hbm>> -> memref<1x200x128xf32, #tpu.memory_space<hbm>>
      %dma_wait3A_424 = tpu.memref_squeeze %dma_wait3A_423 : memref<1x200x128xf32, #tpu.memory_space<hbm>> -> memref<200x128xf32, #tpu.memory_space<hbm>>
      %dma_wait3A_425 = arith.constant 0 : i32
      %dma_wait3A_426 = arith.constant 0 : i32
      %dma_wait3A_427 = tpu.memref_slice %arg4[%mul3A_2, %dma_wait3A_425, %dma_wait3A_426] : memref<4096x200x128xf32, #tpu.memory_space<hbm>> -> memref<1x200x128xf32, #tpu.memory_space<hbm>>
      %dma_wait3A_428 = tpu.memref_squeeze %dma_wait3A_427 : memref<1x200x128xf32, #tpu.memory_space<hbm>> -> memref<200x128xf32, #tpu.memory_space<hbm>>
      tpu.wait_dma2 semaphore(%arg15 : memref<!tpu.dma_semaphore, #tpu.memory_space<semaphore_mem>>) src(%arg7 : memref<200x128xf32, #tpu.memory_space<vmem>>) dst(%dma_wait3A_428 : memref<200x128xf32, #tpu.memory_space<hbm>>)
      %add3A_429 = arith.constant 3 : i32
      %add3A_430 = arith.addi %add3A_420, %add3A_429 : i32
      %and3A_431 = arith.constant 63 : i32
      %and3A_432 = arith.andi %add3A_430, %and3A_431 : i32
      %dma_start3A_433 = arith.constant 0 : i32
      %dma_start3A_434 = arith.constant 0 : i32
      %dma_start3A_435 = tpu.memref_slice %arg7[%dma_start3A_433, %dma_start3A_434] : memref<200x128xf32, #tpu.memory_space<vmem>> -> memref<128x128xf32, #tpu.memory_space<vmem>>
      %dma_start3A_436 = arith.constant 0 : i32
      %dma_start3A_437 = tpu.memref_slice %arg5[%and3A_432, %dma_start3A_436] : memref<64x256xi32, #tpu.memory_space<vmem>> -> memref<1x128xi32, #tpu.memory_space<vmem>>
      %dma_start3A_438 = tpu.memref_squeeze %dma_start3A_437 : memref<1x128xi32, #tpu.memory_space<vmem>> -> memref<128xi32, #tpu.memory_space<vmem>>
      %dma_start3A_439 = arith.constant 0 : i32
      %dma_start3A_440 = arith.constant 0 : i32
      %dma_start3A_441 = tpu.memref_slice %arg3[%dma_start3A_439, %dma_start3A_440] : memref<1000000x128xf32, #tpu.memory_space<hbm>> -> memref<1000000x128xf32, #tpu.memory_space<hbm>>
      tpu.enqueue_indirect_dma source(%dma_start3A_441 : memref<1000000x128xf32, #tpu.memory_space<hbm>>) target(%dma_start3A_435 : memref<128x128xf32, #tpu.memory_space<vmem>>) offsets(%dma_start3A_438 : memref<128xi32, #tpu.memory_space<vmem>>) semaphore(%arg11 : memref<!tpu.dma_semaphore, #tpu.memory_space<semaphore_mem>>)
      %dma_start3A_442 = arith.constant 128 : i32
      %dma_start3A_443 = arith.constant 0 : i32
      %dma_start3A_444 = tpu.memref_slice %arg7[%dma_start3A_442, %dma_start3A_443] : memref<200x128xf32, #tpu.memory_space<vmem>> -> memref<72x128xf32, #tpu.memory_space<vmem>>
      %dma_start3A_445 = arith.constant 128 : i32
      %dma_start3A_446 = tpu.memref_slice %arg5[%and3A_432, %dma_start3A_445] : memref<64x256xi32, #tpu.memory_space<vmem>> -> memref<1x72xi32, #tpu.memory_space<vmem>>
      %dma_start3A_447 = tpu.memref_squeeze %dma_start3A_446 : memref<1x72xi32, #tpu.memory_space<vmem>> -> memref<72xi32, #tpu.memory_space<vmem>>
      %dma_start3A_448 = arith.constant 0 : i32
      %dma_start3A_449 = arith.constant 0 : i32
      %dma_start3A_450 = tpu.memref_slice %arg3[%dma_start3A_448, %dma_start3A_449] : memref<1000000x128xf32, #tpu.memory_space<hbm>> -> memref<1000000x128xf32, #tpu.memory_space<hbm>>
      tpu.enqueue_indirect_dma source(%dma_start3A_450 : memref<1000000x128xf32, #tpu.memory_space<hbm>>) target(%dma_start3A_444 : memref<72x128xf32, #tpu.memory_space<vmem>>) offsets(%dma_start3A_447 : memref<72xi32, #tpu.memory_space<vmem>>) semaphore(%arg11 : memref<!tpu.dma_semaphore, #tpu.memory_space<semaphore_mem>>)
      %dma_wait3A_451 = arith.constant 0 : i32
      %dma_wait3A_452 = arith.constant 0 : i32
      %dma_wait3A_453 = tpu.memref_slice %arg3[%dma_wait3A_451, %dma_wait3A_452] : memref<1000000x128xf32, #tpu.memory_space<hbm>> -> memref<200x128xf32, #tpu.memory_space<hbm>>
      %dma_wait3A_454 = arith.constant 0 : i32
      %dma_wait3A_455 = arith.constant 0 : i32
      %dma_wait3A_456 = tpu.memref_slice %arg3[%dma_wait3A_454, %dma_wait3A_455] : memref<1000000x128xf32, #tpu.memory_space<hbm>> -> memref<200x128xf32, #tpu.memory_space<hbm>>
      tpu.wait_dma2 semaphore(%arg12 : memref<!tpu.dma_semaphore, #tpu.memory_space<semaphore_mem>>) src(%dma_wait3A_456 : memref<200x128xf32, #tpu.memory_space<hbm>>) dst(%arg8 : memref<200x128xf32, #tpu.memory_space<vmem>>)
      %add3A_457 = arith.addi %mul3A_2, %add3A_420 : i32
      %dma_start3A_458 = arith.constant 0 : i32
      %dma_start3A_459 = arith.constant 0 : i32
      %dma_start3A_460 = tpu.memref_slice %arg4[%add3A_457, %dma_start3A_458, %dma_start3A_459] : memref<4096x200x128xf32, #tpu.memory_space<hbm>> -> memref<1x200x128xf32, #tpu.memory_space<hbm>>
      %dma_start3A_461 = tpu.memref_squeeze %dma_start3A_460 : memref<1x200x128xf32, #tpu.memory_space<hbm>> -> memref<200x128xf32, #tpu.memory_space<hbm>>
      %dma_start3A_462 = arith.constant 0 : i32
      %dma_start3A_463 = arith.constant 0 : i32
      %dma_start3A_464 = tpu.memref_slice %arg4[%add3A_457, %dma_start3A_462, %dma_start3A_463] : memref<4096x200x128xf32, #tpu.memory_space<hbm>> -> memref<1x200x128xf32, #tpu.memory_space<hbm>>
      %dma_start3A_465 = tpu.memref_squeeze %dma_start3A_464 : memref<1x200x128xf32, #tpu.memory_space<hbm>> -> memref<200x128xf32, #tpu.memory_space<hbm>>
      tpu.enqueue_dma source(%arg8 : memref<200x128xf32, #tpu.memory_space<vmem>>) target(%dma_start3A_465 : memref<200x128xf32, #tpu.memory_space<hbm>>) target_semaphore(%arg16 : memref<!tpu.dma_semaphore, #tpu.memory_space<semaphore_mem>>)
      %add3A_466 = arith.constant 2 : i32
      %add3A_467 = arith.addi %add3A_372, %add3A_466 : i32
      %dma_wait3A_468 = arith.constant 0 : i32
      %dma_wait3A_469 = arith.constant 0 : i32
      %dma_wait3A_470 = tpu.memref_slice %arg4[%mul3A_2, %dma_wait3A_468, %dma_wait3A_469] : memref<4096x200x128xf32, #tpu.memory_space<hbm>> -> memref<1x200x128xf32, #tpu.memory_space<hbm>>
      %dma_wait3A_471 = tpu.memref_squeeze %dma_wait3A_470 : memref<1x200x128xf32, #tpu.memory_space<hbm>> -> memref<200x128xf32, #tpu.memory_space<hbm>>
      %dma_wait3A_472 = arith.constant 0 : i32
      %dma_wait3A_473 = arith.constant 0 : i32
      %dma_wait3A_474 = tpu.memref_slice %arg4[%mul3A_2, %dma_wait3A_472, %dma_wait3A_473] : memref<4096x200x128xf32, #tpu.memory_space<hbm>> -> memref<1x200x128xf32, #tpu.memory_space<hbm>>
      %dma_wait3A_475 = tpu.memref_squeeze %dma_wait3A_474 : memref<1x200x128xf32, #tpu.memory_space<hbm>> -> memref<200x128xf32, #tpu.memory_space<hbm>>
      tpu.wait_dma2 semaphore(%arg16 : memref<!tpu.dma_semaphore, #tpu.memory_space<semaphore_mem>>) src(%arg8 : memref<200x128xf32, #tpu.memory_space<vmem>>) dst(%dma_wait3A_475 : memref<200x128xf32, #tpu.memory_space<hbm>>)
      %add3A_476 = arith.constant 3 : i32
      %add3A_477 = arith.addi %add3A_467, %add3A_476 : i32
      %and3A_478 = arith.constant 63 : i32
      %and3A_479 = arith.andi %add3A_477, %and3A_478 : i32
      %dma_start3A_480 = arith.constant 0 : i32
      %dma_start3A_481 = arith.constant 0 : i32
      %dma_start3A_482 = tpu.memref_slice %arg8[%dma_start3A_480, %dma_start3A_481] : memref<200x128xf32, #tpu.memory_space<vmem>> -> memref<128x128xf32, #tpu.memory_space<vmem>>
      %dma_start3A_483 = arith.constant 0 : i32
      %dma_start3A_484 = tpu.memref_slice %arg5[%and3A_479, %dma_start3A_483] : memref<64x256xi32, #tpu.memory_space<vmem>> -> memref<1x128xi32, #tpu.memory_space<vmem>>
      %dma_start3A_485 = tpu.memref_squeeze %dma_start3A_484 : memref<1x128xi32, #tpu.memory_space<vmem>> -> memref<128xi32, #tpu.memory_space<vmem>>
      %dma_start3A_486 = arith.constant 0 : i32
      %dma_start3A_487 = arith.constant 0 : i32
      %dma_start3A_488 = tpu.memref_slice %arg3[%dma_start3A_486, %dma_start3A_487] : memref<1000000x128xf32, #tpu.memory_space<hbm>> -> memref<1000000x128xf32, #tpu.memory_space<hbm>>
      tpu.enqueue_indirect_dma source(%dma_start3A_488 : memref<1000000x128xf32, #tpu.memory_space<hbm>>) target(%dma_start3A_482 : memref<128x128xf32, #tpu.memory_space<vmem>>) offsets(%dma_start3A_485 : memref<128xi32, #tpu.memory_space<vmem>>) semaphore(%arg12 : memref<!tpu.dma_semaphore, #tpu.memory_space<semaphore_mem>>)
      %dma_start3A_489 = arith.constant 128 : i32
      %dma_start3A_490 = arith.constant 0 : i32
      %dma_start3A_491 = tpu.memref_slice %arg8[%dma_start3A_489, %dma_start3A_490] : memref<200x128xf32, #tpu.memory_space<vmem>> -> memref<72x128xf32, #tpu.memory_space<vmem>>
      %dma_start3A_492 = arith.constant 128 : i32
      %dma_start3A_493 = tpu.memref_slice %arg5[%and3A_479, %dma_start3A_492] : memref<64x256xi32, #tpu.memory_space<vmem>> -> memref<1x72xi32, #tpu.memory_space<vmem>>
      %dma_start3A_494 = tpu.memref_squeeze %dma_start3A_493 : memref<1x72xi32, #tpu.memory_space<vmem>> -> memref<72xi32, #tpu.memory_space<vmem>>
      %dma_start3A_495 = arith.constant 0 : i32
      %dma_start3A_496 = arith.constant 0 : i32
      %dma_start3A_497 = tpu.memref_slice %arg3[%dma_start3A_495, %dma_start3A_496] : memref<1000000x128xf32, #tpu.memory_space<hbm>> -> memref<1000000x128xf32, #tpu.memory_space<hbm>>
      tpu.enqueue_indirect_dma source(%dma_start3A_497 : memref<1000000x128xf32, #tpu.memory_space<hbm>>) target(%dma_start3A_491 : memref<72x128xf32, #tpu.memory_space<vmem>>) offsets(%dma_start3A_494 : memref<72xi32, #tpu.memory_space<vmem>>) semaphore(%arg12 : memref<!tpu.dma_semaphore, #tpu.memory_space<semaphore_mem>>)
      %dma_wait3A_498 = arith.constant 0 : i32
      %dma_wait3A_499 = arith.constant 0 : i32
      %dma_wait3A_500 = tpu.memref_slice %arg3[%dma_wait3A_498, %dma_wait3A_499] : memref<1000000x128xf32, #tpu.memory_space<hbm>> -> memref<200x128xf32, #tpu.memory_space<hbm>>
      %dma_wait3A_501 = arith.constant 0 : i32
      %dma_wait3A_502 = arith.constant 0 : i32
      %dma_wait3A_503 = tpu.memref_slice %arg3[%dma_wait3A_501, %dma_wait3A_502] : memref<1000000x128xf32, #tpu.memory_space<hbm>> -> memref<200x128xf32, #tpu.memory_space<hbm>>
      tpu.wait_dma2 semaphore(%arg13 : memref<!tpu.dma_semaphore, #tpu.memory_space<semaphore_mem>>) src(%dma_wait3A_503 : memref<200x128xf32, #tpu.memory_space<hbm>>) dst(%arg9 : memref<200x128xf32, #tpu.memory_space<vmem>>)
      %add3A_504 = arith.addi %mul3A_2, %add3A_467 : i32
      %dma_start3A_505 = arith.constant 0 : i32
      %dma_start3A_506 = arith.constant 0 : i32
      %dma_start3A_507 = tpu.memref_slice %arg4[%add3A_504, %dma_start3A_505, %dma_start3A_506] : memref<4096x200x128xf32, #tpu.memory_space<hbm>> -> memref<1x200x128xf32, #tpu.memory_space<hbm>>
      %dma_start3A_508 = tpu.memref_squeeze %dma_start3A_507 : memref<1x200x128xf32, #tpu.memory_space<hbm>> -> memref<200x128xf32, #tpu.memory_space<hbm>>
      %dma_start3A_509 = arith.constant 0 : i32
      %dma_start3A_510 = arith.constant 0 : i32
      %dma_start3A_511 = tpu.memref_slice %arg4[%add3A_504, %dma_start3A_509, %dma_start3A_510] : memref<4096x200x128xf32, #tpu.memory_space<hbm>> -> memref<1x200x128xf32, #tpu.memory_space<hbm>>
      %dma_start3A_512 = tpu.memref_squeeze %dma_start3A_511 : memref<1x200x128xf32, #tpu.memory_space<hbm>> -> memref<200x128xf32, #tpu.memory_space<hbm>>
      tpu.enqueue_dma source(%arg9 : memref<200x128xf32, #tpu.memory_space<vmem>>) target(%dma_start3A_512 : memref<200x128xf32, #tpu.memory_space<hbm>>) target_semaphore(%arg17 : memref<!tpu.dma_semaphore, #tpu.memory_space<semaphore_mem>>)
      %add3A_513 = arith.constant 3 : i32
      %add3A_514 = arith.addi %add3A_372, %add3A_513 : i32
      %dma_wait3A_515 = arith.constant 0 : i32
      %dma_wait3A_516 = arith.constant 0 : i32
      %dma_wait3A_517 = tpu.memref_slice %arg4[%mul3A_2, %dma_wait3A_515, %dma_wait3A_516] : memref<4096x200x128xf32, #tpu.memory_space<hbm>> -> memref<1x200x128xf32, #tpu.memory_space<hbm>>
      %dma_wait3A_518 = tpu.memref_squeeze %dma_wait3A_517 : memref<1x200x128xf32, #tpu.memory_space<hbm>> -> memref<200x128xf32, #tpu.memory_space<hbm>>
      %dma_wait3A_519 = arith.constant 0 : i32
      %dma_wait3A_520 = arith.constant 0 : i32
      %dma_wait3A_521 = tpu.memref_slice %arg4[%mul3A_2, %dma_wait3A_519, %dma_wait3A_520] : memref<4096x200x128xf32, #tpu.memory_space<hbm>> -> memref<1x200x128xf32, #tpu.memory_space<hbm>>
      %dma_wait3A_522 = tpu.memref_squeeze %dma_wait3A_521 : memref<1x200x128xf32, #tpu.memory_space<hbm>> -> memref<200x128xf32, #tpu.memory_space<hbm>>
      tpu.wait_dma2 semaphore(%arg17 : memref<!tpu.dma_semaphore, #tpu.memory_space<semaphore_mem>>) src(%arg9 : memref<200x128xf32, #tpu.memory_space<vmem>>) dst(%dma_wait3A_522 : memref<200x128xf32, #tpu.memory_space<hbm>>)
      %add3A_523 = arith.constant 3 : i32
      %add3A_524 = arith.addi %add3A_514, %add3A_523 : i32
      %and3A_525 = arith.constant 63 : i32
      %and3A_526 = arith.andi %add3A_524, %and3A_525 : i32
      %dma_start3A_527 = arith.constant 0 : i32
      %dma_start3A_528 = arith.constant 0 : i32
      %dma_start3A_529 = tpu.memref_slice %arg9[%dma_start3A_527, %dma_start3A_528] : memref<200x128xf32, #tpu.memory_space<vmem>> -> memref<128x128xf32, #tpu.memory_space<vmem>>
      %dma_start3A_530 = arith.constant 0 : i32
      %dma_start3A_531 = tpu.memref_slice %arg5[%and3A_526, %dma_start3A_530] : memref<64x256xi32, #tpu.memory_space<vmem>> -> memref<1x128xi32, #tpu.memory_space<vmem>>
      %dma_start3A_532 = tpu.memref_squeeze %dma_start3A_531 : memref<1x128xi32, #tpu.memory_space<vmem>> -> memref<128xi32, #tpu.memory_space<vmem>>
      %dma_start3A_533 = arith.constant 0 : i32
      %dma_start3A_534 = arith.constant 0 : i32
      %dma_start3A_535 = tpu.memref_slice %arg3[%dma_start3A_533, %dma_start3A_534] : memref<1000000x128xf32, #tpu.memory_space<hbm>> -> memref<1000000x128xf32, #tpu.memory_space<hbm>>
      tpu.enqueue_indirect_dma source(%dma_start3A_535 : memref<1000000x128xf32, #tpu.memory_space<hbm>>) target(%dma_start3A_529 : memref<128x128xf32, #tpu.memory_space<vmem>>) offsets(%dma_start3A_532 : memref<128xi32, #tpu.memory_space<vmem>>) semaphore(%arg13 : memref<!tpu.dma_semaphore, #tpu.memory_space<semaphore_mem>>)
      %dma_start3A_536 = arith.constant 128 : i32
      %dma_start3A_537 = arith.constant 0 : i32
      %dma_start3A_538 = tpu.memref_slice %arg9[%dma_start3A_536, %dma_start3A_537] : memref<200x128xf32, #tpu.memory_space<vmem>> -> memref<72x128xf32, #tpu.memory_space<vmem>>
      %dma_start3A_539 = arith.constant 128 : i32
      %dma_start3A_540 = tpu.memref_slice %arg5[%and3A_526, %dma_start3A_539] : memref<64x256xi32, #tpu.memory_space<vmem>> -> memref<1x72xi32, #tpu.memory_space<vmem>>
      %dma_start3A_541 = tpu.memref_squeeze %dma_start3A_540 : memref<1x72xi32, #tpu.memory_space<vmem>> -> memref<72xi32, #tpu.memory_space<vmem>>
      %dma_start3A_542 = arith.constant 0 : i32
      %dma_start3A_543 = arith.constant 0 : i32
      %dma_start3A_544 = tpu.memref_slice %arg3[%dma_start3A_542, %dma_start3A_543] : memref<1000000x128xf32, #tpu.memory_space<hbm>> -> memref<1000000x128xf32, #tpu.memory_space<hbm>>
      tpu.enqueue_indirect_dma source(%dma_start3A_544 : memref<1000000x128xf32, #tpu.memory_space<hbm>>) target(%dma_start3A_538 : memref<72x128xf32, #tpu.memory_space<vmem>>) offsets(%dma_start3A_541 : memref<72xi32, #tpu.memory_space<vmem>>) semaphore(%arg13 : memref<!tpu.dma_semaphore, #tpu.memory_space<semaphore_mem>>)
      %dma_wait3A_545 = arith.constant 0 : i32
      %dma_wait3A_546 = arith.constant 0 : i32
      %dma_wait3A_547 = tpu.memref_slice %arg3[%dma_wait3A_545, %dma_wait3A_546] : memref<1000000x128xf32, #tpu.memory_space<hbm>> -> memref<200x128xf32, #tpu.memory_space<hbm>>
      %dma_wait3A_548 = arith.constant 0 : i32
      %dma_wait3A_549 = arith.constant 0 : i32
      %dma_wait3A_550 = tpu.memref_slice %arg3[%dma_wait3A_548, %dma_wait3A_549] : memref<1000000x128xf32, #tpu.memory_space<hbm>> -> memref<200x128xf32, #tpu.memory_space<hbm>>
      tpu.wait_dma2 semaphore(%arg10 : memref<!tpu.dma_semaphore, #tpu.memory_space<semaphore_mem>>) src(%dma_wait3A_550 : memref<200x128xf32, #tpu.memory_space<hbm>>) dst(%arg6 : memref<200x128xf32, #tpu.memory_space<vmem>>)
      %add3A_551 = arith.addi %mul3A_2, %add3A_514 : i32
      %dma_start3A_552 = arith.constant 0 : i32
      %dma_start3A_553 = arith.constant 0 : i32
      %dma_start3A_554 = tpu.memref_slice %arg4[%add3A_551, %dma_start3A_552, %dma_start3A_553] : memref<4096x200x128xf32, #tpu.memory_space<hbm>> -> memref<1x200x128xf32, #tpu.memory_space<hbm>>
      %dma_start3A_555 = tpu.memref_squeeze %dma_start3A_554 : memref<1x200x128xf32, #tpu.memory_space<hbm>> -> memref<200x128xf32, #tpu.memory_space<hbm>>
      %dma_start3A_556 = arith.constant 0 : i32
      %dma_start3A_557 = arith.constant 0 : i32
      %dma_start3A_558 = tpu.memref_slice %arg4[%add3A_551, %dma_start3A_556, %dma_start3A_557] : memref<4096x200x128xf32, #tpu.memory_space<hbm>> -> memref<1x200x128xf32, #tpu.memory_space<hbm>>
      %dma_start3A_559 = tpu.memref_squeeze %dma_start3A_558 : memref<1x200x128xf32, #tpu.memory_space<hbm>> -> memref<200x128xf32, #tpu.memory_space<hbm>>
      tpu.enqueue_dma source(%arg6 : memref<200x128xf32, #tpu.memory_space<vmem>>) target(%dma_start3A_559 : memref<200x128xf32, #tpu.memory_space<hbm>>) target_semaphore(%arg14 : memref<!tpu.dma_semaphore, #tpu.memory_space<semaphore_mem>>)
    }
    %scan3A_103 = arith.constant 15 : i32
    %dma_wait3A_104 = arith.constant 0 : i32
    %dma_wait3A_105 = arith.constant 0 : i32
    %dma_wait3A_106 = tpu.memref_slice %arg3[%dma_wait3A_104, %dma_wait3A_105] : memref<1000000x128xf32, #tpu.memory_space<hbm>> -> memref<200x128xf32, #tpu.memory_space<hbm>>
    %dma_wait3A_107 = arith.constant 0 : i32
    %dma_wait3A_108 = arith.constant 0 : i32
    %dma_wait3A_109 = tpu.memref_slice %arg3[%dma_wait3A_107, %dma_wait3A_108] : memref<1000000x128xf32, #tpu.memory_space<hbm>> -> memref<200x128xf32, #tpu.memory_space<hbm>>
    tpu.wait_dma2 semaphore(%arg11 : memref<!tpu.dma_semaphore, #tpu.memory_space<semaphore_mem>>) src(%dma_wait3A_109 : memref<200x128xf32, #tpu.memory_space<hbm>>) dst(%arg7 : memref<200x128xf32, #tpu.memory_space<vmem>>)
    %add3A_110 = arith.constant 61 : i32
    %add3A_111 = arith.addi %mul3A_2, %add3A_110 : i32
    %dma_start3A_112 = arith.constant 0 : i32
    %dma_start3A_113 = arith.constant 0 : i32
    %dma_start3A_114 = tpu.memref_slice %arg4[%add3A_111, %dma_start3A_112, %dma_start3A_113] : memref<4096x200x128xf32, #tpu.memory_space<hbm>> -> memref<1x200x128xf32, #tpu.memory_space<hbm>>
    %dma_start3A_115 = tpu.memref_squeeze %dma_start3A_114 : memref<1x200x128xf32, #tpu.memory_space<hbm>> -> memref<200x128xf32, #tpu.memory_space<hbm>>
    %dma_start3A_116 = arith.constant 0 : i32
    %dma_start3A_117 = arith.constant 0 : i32
    %dma_start3A_118 = tpu.memref_slice %arg4[%add3A_111, %dma_start3A_116, %dma_start3A_117] : memref<4096x200x128xf32, #tpu.memory_space<hbm>> -> memref<1x200x128xf32, #tpu.memory_space<hbm>>
    %dma_start3A_119 = tpu.memref_squeeze %dma_start3A_118 : memref<1x200x128xf32, #tpu.memory_space<hbm>> -> memref<200x128xf32, #tpu.memory_space<hbm>>
    tpu.enqueue_dma source(%arg7 : memref<200x128xf32, #tpu.memory_space<vmem>>) target(%dma_start3A_119 : memref<200x128xf32, #tpu.memory_space<hbm>>) target_semaphore(%arg15 : memref<!tpu.dma_semaphore, #tpu.memory_space<semaphore_mem>>)
    %dma_wait3A_120 = arith.constant 0 : i32
    %dma_wait3A_121 = arith.constant 0 : i32
    %dma_wait3A_122 = tpu.memref_slice %arg3[%dma_wait3A_120, %dma_wait3A_121] : memref<1000000x128xf32, #tpu.memory_space<hbm>> -> memref<200x128xf32, #tpu.memory_space<hbm>>
    %dma_wait3A_123 = arith.constant 0 : i32
    %dma_wait3A_124 = arith.constant 0 : i32
    %dma_wait3A_125 = tpu.memref_slice %arg3[%dma_wait3A_123, %dma_wait3A_124] : memref<1000000x128xf32, #tpu.memory_space<hbm>> -> memref<200x128xf32, #tpu.memory_space<hbm>>
    tpu.wait_dma2 semaphore(%arg12 : memref<!tpu.dma_semaphore, #tpu.memory_space<semaphore_mem>>) src(%dma_wait3A_125 : memref<200x128xf32, #tpu.memory_space<hbm>>) dst(%arg8 : memref<200x128xf32, #tpu.memory_space<vmem>>)
    %add3A_126 = arith.constant 62 : i32
    %add3A_127 = arith.addi %mul3A_2, %add3A_126 : i32
    %dma_start3A_128 = arith.constant 0 : i32
    %dma_start3A_129 = arith.constant 0 : i32
    %dma_start3A_130 = tpu.memref_slice %arg4[%add3A_127, %dma_start3A_128, %dma_start3A_129] : memref<4096x200x128xf32, #tpu.memory_space<hbm>> -> memref<1x200x128xf32, #tpu.memory_space<hbm>>
    %dma_start3A_131 = tpu.memref_squeeze %dma_start3A_130 : memref<1x200x128xf32, #tpu.memory_space<hbm>> -> memref<200x128xf32, #tpu.memory_space<hbm>>
    %dma_start3A_132 = arith.constant 0 : i32
    %dma_start3A_133 = arith.constant 0 : i32
    %dma_start3A_134 = tpu.memref_slice %arg4[%add3A_127, %dma_start3A_132, %dma_start3A_133] : memref<4096x200x128xf32, #tpu.memory_space<hbm>> -> memref<1x200x128xf32, #tpu.memory_space<hbm>>
    %dma_start3A_135 = tpu.memref_squeeze %dma_start3A_134 : memref<1x200x128xf32, #tpu.memory_space<hbm>> -> memref<200x128xf32, #tpu.memory_space<hbm>>
    tpu.enqueue_dma source(%arg8 : memref<200x128xf32, #tpu.memory_space<vmem>>) target(%dma_start3A_135 : memref<200x128xf32, #tpu.memory_space<hbm>>) target_semaphore(%arg16 : memref<!tpu.dma_semaphore, #tpu.memory_space<semaphore_mem>>)
    %dma_wait3A_136 = arith.constant 0 : i32
    %dma_wait3A_137 = arith.constant 0 : i32
    %dma_wait3A_138 = tpu.memref_slice %arg3[%dma_wait3A_136, %dma_wait3A_137] : memref<1000000x128xf32, #tpu.memory_space<hbm>> -> memref<200x128xf32, #tpu.memory_space<hbm>>
    %dma_wait3A_139 = arith.constant 0 : i32
    %dma_wait3A_140 = arith.constant 0 : i32
    %dma_wait3A_141 = tpu.memref_slice %arg3[%dma_wait3A_139, %dma_wait3A_140] : memref<1000000x128xf32, #tpu.memory_space<hbm>> -> memref<200x128xf32, #tpu.memory_space<hbm>>
    tpu.wait_dma2 semaphore(%arg13 : memref<!tpu.dma_semaphore, #tpu.memory_space<semaphore_mem>>) src(%dma_wait3A_141 : memref<200x128xf32, #tpu.memory_space<hbm>>) dst(%arg9 : memref<200x128xf32, #tpu.memory_space<vmem>>)
    %add3A_142 = arith.constant 63 : i32
    %add3A_143 = arith.addi %mul3A_2, %add3A_142 : i32
    %dma_start3A_144 = arith.constant 0 : i32
    %dma_start3A_145 = arith.constant 0 : i32
    %dma_start3A_146 = tpu.memref_slice %arg4[%add3A_143, %dma_start3A_144, %dma_start3A_145] : memref<4096x200x128xf32, #tpu.memory_space<hbm>> -> memref<1x200x128xf32, #tpu.memory_space<hbm>>
    %dma_start3A_147 = tpu.memref_squeeze %dma_start3A_146 : memref<1x200x128xf32, #tpu.memory_space<hbm>> -> memref<200x128xf32, #tpu.memory_space<hbm>>
    %dma_start3A_148 = arith.constant 0 : i32
    %dma_start3A_149 = arith.constant 0 : i32
    %dma_start3A_150 = tpu.memref_slice %arg4[%add3A_143, %dma_start3A_148, %dma_start3A_149] : memref<4096x200x128xf32, #tpu.memory_space<hbm>> -> memref<1x200x128xf32, #tpu.memory_space<hbm>>
    %dma_start3A_151 = tpu.memref_squeeze %dma_start3A_150 : memref<1x200x128xf32, #tpu.memory_space<hbm>> -> memref<200x128xf32, #tpu.memory_space<hbm>>
    tpu.enqueue_dma source(%arg9 : memref<200x128xf32, #tpu.memory_space<vmem>>) target(%dma_start3A_151 : memref<200x128xf32, #tpu.memory_space<hbm>>) target_semaphore(%arg17 : memref<!tpu.dma_semaphore, #tpu.memory_space<semaphore_mem>>)
    %add3A_152 = arith.constant 64 : i32
    %add3A_153 = arith.addi %mul3A_2, %add3A_152 : i32
    "tpu.region"() ({
      %run_scoped3A = tpu.sem_alloc : memref<!tpu.dma_semaphore, #tpu.memory_space<semaphore_mem>>
      %dma_start3A_368 = arith.constant 0 : i32
      %dma_start3A_369 = tpu.memref_slice %arg2[%add3A_153, %dma_start3A_368] : memref<4096x256xi32, #tpu.memory_space<hbm>> -> memref<64x256xi32, #tpu.memory_space<hbm>>
      %dma_start3A_370 = arith.constant 0 : i32
      %dma_start3A_371 = tpu.memref_slice %arg2[%add3A_153, %dma_start3A_370] : memref<4096x256xi32, #tpu.memory_space<hbm>> -> memref<64x256xi32, #tpu.memory_space<hbm>>
      tpu.enqueue_dma source(%dma_start3A_371 : memref<64x256xi32, #tpu.memory_space<hbm>>) target(%arg5 : memref<64x256xi32, #tpu.memory_space<vmem>>) target_semaphore(%run_scoped3A : memref<!tpu.dma_semaphore, #tpu.memory_space<semaphore_mem>>)
      %dma_wait3A_372 = arith.constant 0 : i32
      %dma_wait3A_373 = tpu.memref_slice %arg2[%add3A_153, %dma_wait3A_372] : memref<4096x256xi32, #tpu.memory_space<hbm>> -> memref<64x256xi32, #tpu.memory_space<hbm>>
      %dma_wait3A_374 = arith.constant 0 : i32
      %dma_wait3A_375 = tpu.memref_slice %arg2[%add3A_153, %dma_wait3A_374] : memref<4096x256xi32, #tpu.memory_space<hbm>> -> memref<64x256xi32, #tpu.memory_space<hbm>>
      tpu.wait_dma2 semaphore(%run_scoped3A : memref<!tpu.dma_semaphore, #tpu.memory_space<semaphore_mem>>) src(%dma_wait3A_375 : memref<64x256xi32, #tpu.memory_space<hbm>>) dst(%arg5 : memref<64x256xi32, #tpu.memory_space<vmem>>)
      tpu.yield
    }) : () -> ()
    %dma_wait3A_154 = arith.constant 0 : i32
    %dma_wait3A_155 = arith.constant 0 : i32
    %dma_wait3A_156 = tpu.memref_slice %arg4[%mul3A_2, %dma_wait3A_154, %dma_wait3A_155] : memref<4096x200x128xf32, #tpu.memory_space<hbm>> -> memref<1x200x128xf32, #tpu.memory_space<hbm>>
    %dma_wait3A_157 = tpu.memref_squeeze %dma_wait3A_156 : memref<1x200x128xf32, #tpu.memory_space<hbm>> -> memref<200x128xf32, #tpu.memory_space<hbm>>
    %dma_wait3A_158 = arith.constant 0 : i32
    %dma_wait3A_159 = arith.constant 0 : i32
    %dma_wait3A_160 = tpu.memref_slice %arg4[%mul3A_2, %dma_wait3A_158, %dma_wait3A_159] : memref<4096x200x128xf32, #tpu.memory_space<hbm>> -> memref<1x200x128xf32, #tpu.memory_space<hbm>>
    %dma_wait3A_161 = tpu.memref_squeeze %dma_wait3A_160 : memref<1x200x128xf32, #tpu.memory_space<hbm>> -> memref<200x128xf32, #tpu.memory_space<hbm>>
    tpu.wait_dma2 semaphore(%arg14 : memref<!tpu.dma_semaphore, #tpu.memory_space<semaphore_mem>>) src(%arg6 : memref<200x128xf32, #tpu.memory_space<vmem>>) dst(%dma_wait3A_161 : memref<200x128xf32, #tpu.memory_space<hbm>>)
    %dma_start3A_162 = arith.constant 0 : i32
    %dma_start3A_163 = arith.constant 0 : i32
    %dma_start3A_164 = arith.constant 0 : i32
    %dma_start3A_165 = tpu.memref_slice %arg6[%dma_start3A_163, %dma_start3A_164] : memref<200x128xf32, #tpu.memory_space<vmem>> -> memref<128x128xf32, #tpu.memory_space<vmem>>
    %dma_start3A_166 = arith.constant 0 : i32
    %dma_start3A_167 = tpu.memref_slice %arg5[%dma_start3A_162, %dma_start3A_166] : memref<64x256xi32, #tpu.memory_space<vmem>> -> memref<1x128xi32, #tpu.memory_space<vmem>>
    %dma_start3A_168 = tpu.memref_squeeze %dma_start3A_167 : memref<1x128xi32, #tpu.memory_space<vmem>> -> memref<128xi32, #tpu.memory_space<vmem>>
    %dma_start3A_169 = arith.constant 0 : i32
    %dma_start3A_170 = arith.constant 0 : i32
    %dma_start3A_171 = tpu.memref_slice %arg3[%dma_start3A_169, %dma_start3A_170] : memref<1000000x128xf32, #tpu.memory_space<hbm>> -> memref<1000000x128xf32, #tpu.memory_space<hbm>>
    tpu.enqueue_indirect_dma source(%dma_start3A_171 : memref<1000000x128xf32, #tpu.memory_space<hbm>>) target(%dma_start3A_165 : memref<128x128xf32, #tpu.memory_space<vmem>>) offsets(%dma_start3A_168 : memref<128xi32, #tpu.memory_space<vmem>>) semaphore(%arg10 : memref<!tpu.dma_semaphore, #tpu.memory_space<semaphore_mem>>)
    %dma_start3A_172 = arith.constant 0 : i32
    %dma_start3A_173 = arith.constant 128 : i32
    %dma_start3A_174 = arith.constant 0 : i32
    %dma_start3A_175 = tpu.memref_slice %arg6[%dma_start3A_173, %dma_start3A_174] : memref<200x128xf32, #tpu.memory_space<vmem>> -> memref<72x128xf32, #tpu.memory_space<vmem>>
    %dma_start3A_176 = arith.constant 128 : i32
    %dma_start3A_177 = tpu.memref_slice %arg5[%dma_start3A_172, %dma_start3A_176] : memref<64x256xi32, #tpu.memory_space<vmem>> -> memref<1x72xi32, #tpu.memory_space<vmem>>
    %dma_start3A_178 = tpu.memref_squeeze %dma_start3A_177 : memref<1x72xi32, #tpu.memory_space<vmem>> -> memref<72xi32, #tpu.memory_space<vmem>>
    %dma_start3A_179 = arith.constant 0 : i32
    %dma_start3A_180 = arith.constant 0 : i32
    %dma_start3A_181 = tpu.memref_slice %arg3[%dma_start3A_179, %dma_start3A_180] : memref<1000000x128xf32, #tpu.memory_space<hbm>> -> memref<1000000x128xf32, #tpu.memory_space<hbm>>
    tpu.enqueue_indirect_dma source(%dma_start3A_181 : memref<1000000x128xf32, #tpu.memory_space<hbm>>) target(%dma_start3A_175 : memref<72x128xf32, #tpu.memory_space<vmem>>) offsets(%dma_start3A_178 : memref<72xi32, #tpu.memory_space<vmem>>) semaphore(%arg10 : memref<!tpu.dma_semaphore, #tpu.memory_space<semaphore_mem>>)
    %dma_wait3A_182 = arith.constant 0 : i32
    %dma_wait3A_183 = arith.constant 0 : i32
    %dma_wait3A_184 = tpu.memref_slice %arg4[%mul3A_2, %dma_wait3A_182, %dma_wait3A_183] : memref<4096x200x128xf32, #tpu.memory_space<hbm>> -> memref<1x200x128xf32, #tpu.memory_space<hbm>>
    %dma_wait3A_185 = tpu.memref_squeeze %dma_wait3A_184 : memref<1x200x128xf32, #tpu.memory_space<hbm>> -> memref<200x128xf32, #tpu.memory_space<hbm>>
    %dma_wait3A_186 = arith.constant 0 : i32
    %dma_wait3A_187 = arith.constant 0 : i32
    %dma_wait3A_188 = tpu.memref_slice %arg4[%mul3A_2, %dma_wait3A_186, %dma_wait3A_187] : memref<4096x200x128xf32, #tpu.memory_space<hbm>> -> memref<1x200x128xf32, #tpu.memory_space<hbm>>
    %dma_wait3A_189 = tpu.memref_squeeze %dma_wait3A_188 : memref<1x200x128xf32, #tpu.memory_space<hbm>> -> memref<200x128xf32, #tpu.memory_space<hbm>>
    tpu.wait_dma2 semaphore(%arg15 : memref<!tpu.dma_semaphore, #tpu.memory_space<semaphore_mem>>) src(%arg7 : memref<200x128xf32, #tpu.memory_space<vmem>>) dst(%dma_wait3A_189 : memref<200x128xf32, #tpu.memory_space<hbm>>)
    %dma_start3A_190 = arith.constant 1 : i32
    %dma_start3A_191 = arith.constant 0 : i32
    %dma_start3A_192 = arith.constant 0 : i32
    %dma_start3A_193 = tpu.memref_slice %arg7[%dma_start3A_191, %dma_start3A_192] : memref<200x128xf32, #tpu.memory_space<vmem>> -> memref<128x128xf32, #tpu.memory_space<vmem>>
    %dma_start3A_194 = arith.constant 0 : i32
    %dma_start3A_195 = tpu.memref_slice %arg5[%dma_start3A_190, %dma_start3A_194] : memref<64x256xi32, #tpu.memory_space<vmem>> -> memref<1x128xi32, #tpu.memory_space<vmem>>
    %dma_start3A_196 = tpu.memref_squeeze %dma_start3A_195 : memref<1x128xi32, #tpu.memory_space<vmem>> -> memref<128xi32, #tpu.memory_space<vmem>>
    %dma_start3A_197 = arith.constant 0 : i32
    %dma_start3A_198 = arith.constant 0 : i32
    %dma_start3A_199 = tpu.memref_slice %arg3[%dma_start3A_197, %dma_start3A_198] : memref<1000000x128xf32, #tpu.memory_space<hbm>> -> memref<1000000x128xf32, #tpu.memory_space<hbm>>
    tpu.enqueue_indirect_dma source(%dma_start3A_199 : memref<1000000x128xf32, #tpu.memory_space<hbm>>) target(%dma_start3A_193 : memref<128x128xf32, #tpu.memory_space<vmem>>) offsets(%dma_start3A_196 : memref<128xi32, #tpu.memory_space<vmem>>) semaphore(%arg11 : memref<!tpu.dma_semaphore, #tpu.memory_space<semaphore_mem>>)
    %dma_start3A_200 = arith.constant 1 : i32
    %dma_start3A_201 = arith.constant 128 : i32
    %dma_start3A_202 = arith.constant 0 : i32
    %dma_start3A_203 = tpu.memref_slice %arg7[%dma_start3A_201, %dma_start3A_202] : memref<200x128xf32, #tpu.memory_space<vmem>> -> memref<72x128xf32, #tpu.memory_space<vmem>>
    %dma_start3A_204 = arith.constant 128 : i32
    %dma_start3A_205 = tpu.memref_slice %arg5[%dma_start3A_200, %dma_start3A_204] : memref<64x256xi32, #tpu.memory_space<vmem>> -> memref<1x72xi32, #tpu.memory_space<vmem>>
    %dma_start3A_206 = tpu.memref_squeeze %dma_start3A_205 : memref<1x72xi32, #tpu.memory_space<vmem>> -> memref<72xi32, #tpu.memory_space<vmem>>
    %dma_start3A_207 = arith.constant 0 : i32
    %dma_start3A_208 = arith.constant 0 : i32
    %dma_start3A_209 = tpu.memref_slice %arg3[%dma_start3A_207, %dma_start3A_208] : memref<1000000x128xf32, #tpu.memory_space<hbm>> -> memref<1000000x128xf32, #tpu.memory_space<hbm>>
    tpu.enqueue_indirect_dma source(%dma_start3A_209 : memref<1000000x128xf32, #tpu.memory_space<hbm>>) target(%dma_start3A_203 : memref<72x128xf32, #tpu.memory_space<vmem>>) offsets(%dma_start3A_206 : memref<72xi32, #tpu.memory_space<vmem>>) semaphore(%arg11 : memref<!tpu.dma_semaphore, #tpu.memory_space<semaphore_mem>>)
    %dma_wait3A_210 = arith.constant 0 : i32
    %dma_wait3A_211 = arith.constant 0 : i32
    %dma_wait3A_212 = tpu.memref_slice %arg4[%mul3A_2, %dma_wait3A_210, %dma_wait3A_211] : memref<4096x200x128xf32, #tpu.memory_space<hbm>> -> memref<1x200x128xf32, #tpu.memory_space<hbm>>
    %dma_wait3A_213 = tpu.memref_squeeze %dma_wait3A_212 : memref<1x200x128xf32, #tpu.memory_space<hbm>> -> memref<200x128xf32, #tpu.memory_space<hbm>>
    %dma_wait3A_214 = arith.constant 0 : i32
    %dma_wait3A_215 = arith.constant 0 : i32
    %dma_wait3A_216 = tpu.memref_slice %arg4[%mul3A_2, %dma_wait3A_214, %dma_wait3A_215] : memref<4096x200x128xf32, #tpu.memory_space<hbm>> -> memref<1x200x128xf32, #tpu.memory_space<hbm>>
    %dma_wait3A_217 = tpu.memref_squeeze %dma_wait3A_216 : memref<1x200x128xf32, #tpu.memory_space<hbm>> -> memref<200x128xf32, #tpu.memory_space<hbm>>
    tpu.wait_dma2 semaphore(%arg16 : memref<!tpu.dma_semaphore, #tpu.memory_space<semaphore_mem>>) src(%arg8 : memref<200x128xf32, #tpu.memory_space<vmem>>) dst(%dma_wait3A_217 : memref<200x128xf32, #tpu.memory_space<hbm>>)
    %dma_start3A_218 = arith.constant 2 : i32
    %dma_start3A_219 = arith.constant 0 : i32
    %dma_start3A_220 = arith.constant 0 : i32
    %dma_start3A_221 = tpu.memref_slice %arg8[%dma_start3A_219, %dma_start3A_220] : memref<200x128xf32, #tpu.memory_space<vmem>> -> memref<128x128xf32, #tpu.memory_space<vmem>>
    %dma_start3A_222 = arith.constant 0 : i32
    %dma_start3A_223 = tpu.memref_slice %arg5[%dma_start3A_218, %dma_start3A_222] : memref<64x256xi32, #tpu.memory_space<vmem>> -> memref<1x128xi32, #tpu.memory_space<vmem>>
    %dma_start3A_224 = tpu.memref_squeeze %dma_start3A_223 : memref<1x128xi32, #tpu.memory_space<vmem>> -> memref<128xi32, #tpu.memory_space<vmem>>
    %dma_start3A_225 = arith.constant 0 : i32
    %dma_start3A_226 = arith.constant 0 : i32
    %dma_start3A_227 = tpu.memref_slice %arg3[%dma_start3A_225, %dma_start3A_226] : memref<1000000x128xf32, #tpu.memory_space<hbm>> -> memref<1000000x128xf32, #tpu.memory_space<hbm>>
    tpu.enqueue_indirect_dma source(%dma_start3A_227 : memref<1000000x128xf32, #tpu.memory_space<hbm>>) target(%dma_start3A_221 : memref<128x128xf32, #tpu.memory_space<vmem>>) offsets(%dma_start3A_224 : memref<128xi32, #tpu.memory_space<vmem>>) semaphore(%arg12 : memref<!tpu.dma_semaphore, #tpu.memory_space<semaphore_mem>>)
    %dma_start3A_228 = arith.constant 2 : i32
    %dma_start3A_229 = arith.constant 128 : i32
    %dma_start3A_230 = arith.constant 0 : i32
    %dma_start3A_231 = tpu.memref_slice %arg8[%dma_start3A_229, %dma_start3A_230] : memref<200x128xf32, #tpu.memory_space<vmem>> -> memref<72x128xf32, #tpu.memory_space<vmem>>
    %dma_start3A_232 = arith.constant 128 : i32
    %dma_start3A_233 = tpu.memref_slice %arg5[%dma_start3A_228, %dma_start3A_232] : memref<64x256xi32, #tpu.memory_space<vmem>> -> memref<1x72xi32, #tpu.memory_space<vmem>>
    %dma_start3A_234 = tpu.memref_squeeze %dma_start3A_233 : memref<1x72xi32, #tpu.memory_space<vmem>> -> memref<72xi32, #tpu.memory_space<vmem>>
    %dma_start3A_235 = arith.constant 0 : i32
    %dma_start3A_236 = arith.constant 0 : i32
    %dma_start3A_237 = tpu.memref_slice %arg3[%dma_start3A_235, %dma_start3A_236] : memref<1000000x128xf32, #tpu.memory_space<hbm>> -> memref<1000000x128xf32, #tpu.memory_space<hbm>>
    tpu.enqueue_indirect_dma source(%dma_start3A_237 : memref<1000000x128xf32, #tpu.memory_space<hbm>>) target(%dma_start3A_231 : memref<72x128xf32, #tpu.memory_space<vmem>>) offsets(%dma_start3A_234 : memref<72xi32, #tpu.memory_space<vmem>>) semaphore(%arg12 : memref<!tpu.dma_semaphore, #tpu.memory_space<semaphore_mem>>)
    %scan3A_238 = arith.constant 0 : i32
    %scan3A_239 = arith.constant 0 : i32
    %scan3A_240 = arith.constant 15 : i32
    %scan3A_241 = arith.addi %scan3A_239, %scan3A_240 : i32
    %scan3A_242 = arith.constant 1 : i32
    scf.for %scan3A_368 = %scan3A_239 to %scan3A_241 step %scan3A_242  : i32 {
      %mul3A_369 = arith.constant 4 : i32
      %mul3A_370 = arith.muli %mul3A_369, %scan3A_368 : i32
      %add3A_371 = arith.constant 64 : i32
      %add3A_372 = arith.addi %add3A_371, %mul3A_370 : i32
      %add3A_373 = arith.constant 0 : i32
      %add3A_374 = arith.addi %add3A_372, %add3A_373 : i32
      %dma_wait3A_375 = arith.constant 0 : i32
      %dma_wait3A_376 = arith.constant 0 : i32
      %dma_wait3A_377 = tpu.memref_slice %arg4[%mul3A_2, %dma_wait3A_375, %dma_wait3A_376] : memref<4096x200x128xf32, #tpu.memory_space<hbm>> -> memref<1x200x128xf32, #tpu.memory_space<hbm>>
      %dma_wait3A_378 = tpu.memref_squeeze %dma_wait3A_377 : memref<1x200x128xf32, #tpu.memory_space<hbm>> -> memref<200x128xf32, #tpu.memory_space<hbm>>
      %dma_wait3A_379 = arith.constant 0 : i32
      %dma_wait3A_380 = arith.constant 0 : i32
      %dma_wait3A_381 = tpu.memref_slice %arg4[%mul3A_2, %dma_wait3A_379, %dma_wait3A_380] : memref<4096x200x128xf32, #tpu.memory_space<hbm>> -> memref<1x200x128xf32, #tpu.memory_space<hbm>>
      %dma_wait3A_382 = tpu.memref_squeeze %dma_wait3A_381 : memref<1x200x128xf32, #tpu.memory_space<hbm>> -> memref<200x128xf32, #tpu.memory_space<hbm>>
      tpu.wait_dma2 semaphore(%arg17 : memref<!tpu.dma_semaphore, #tpu.memory_space<semaphore_mem>>) src(%arg9 : memref<200x128xf32, #tpu.memory_space<vmem>>) dst(%dma_wait3A_382 : memref<200x128xf32, #tpu.memory_space<hbm>>)
      %add3A_383 = arith.constant 3 : i32
      %add3A_384 = arith.addi %add3A_374, %add3A_383 : i32
      %and3A = arith.constant 63 : i32
      %and3A_385 = arith.andi %add3A_384, %and3A : i32
      %dma_start3A_386 = arith.constant 0 : i32
      %dma_start3A_387 = arith.constant 0 : i32
      %dma_start3A_388 = tpu.memref_slice %arg9[%dma_start3A_386, %dma_start3A_387] : memref<200x128xf32, #tpu.memory_space<vmem>> -> memref<128x128xf32, #tpu.memory_space<vmem>>
      %dma_start3A_389 = arith.constant 0 : i32
      %dma_start3A_390 = tpu.memref_slice %arg5[%and3A_385, %dma_start3A_389] : memref<64x256xi32, #tpu.memory_space<vmem>> -> memref<1x128xi32, #tpu.memory_space<vmem>>
      %dma_start3A_391 = tpu.memref_squeeze %dma_start3A_390 : memref<1x128xi32, #tpu.memory_space<vmem>> -> memref<128xi32, #tpu.memory_space<vmem>>
      %dma_start3A_392 = arith.constant 0 : i32
      %dma_start3A_393 = arith.constant 0 : i32
      %dma_start3A_394 = tpu.memref_slice %arg3[%dma_start3A_392, %dma_start3A_393] : memref<1000000x128xf32, #tpu.memory_space<hbm>> -> memref<1000000x128xf32, #tpu.memory_space<hbm>>
      tpu.enqueue_indirect_dma source(%dma_start3A_394 : memref<1000000x128xf32, #tpu.memory_space<hbm>>) target(%dma_start3A_388 : memref<128x128xf32, #tpu.memory_space<vmem>>) offsets(%dma_start3A_391 : memref<128xi32, #tpu.memory_space<vmem>>) semaphore(%arg13 : memref<!tpu.dma_semaphore, #tpu.memory_space<semaphore_mem>>)
      %dma_start3A_395 = arith.constant 128 : i32
      %dma_start3A_396 = arith.constant 0 : i32
      %dma_start3A_397 = tpu.memref_slice %arg9[%dma_start3A_395, %dma_start3A_396] : memref<200x128xf32, #tpu.memory_space<vmem>> -> memref<72x128xf32, #tpu.memory_space<vmem>>
      %dma_start3A_398 = arith.constant 128 : i32
      %dma_start3A_399 = tpu.memref_slice %arg5[%and3A_385, %dma_start3A_398] : memref<64x256xi32, #tpu.memory_space<vmem>> -> memref<1x72xi32, #tpu.memory_space<vmem>>
      %dma_start3A_400 = tpu.memref_squeeze %dma_start3A_399 : memref<1x72xi32, #tpu.memory_space<vmem>> -> memref<72xi32, #tpu.memory_space<vmem>>
      %dma_start3A_401 = arith.constant 0 : i32
      %dma_start3A_402 = arith.constant 0 : i32
      %dma_start3A_403 = tpu.memref_slice %arg3[%dma_start3A_401, %dma_start3A_402] : memref<1000000x128xf32, #tpu.memory_space<hbm>> -> memref<1000000x128xf32, #tpu.memory_space<hbm>>
      tpu.enqueue_indirect_dma source(%dma_start3A_403 : memref<1000000x128xf32, #tpu.memory_space<hbm>>) target(%dma_start3A_397 : memref<72x128xf32, #tpu.memory_space<vmem>>) offsets(%dma_start3A_400 : memref<72xi32, #tpu.memory_space<vmem>>) semaphore(%arg13 : memref<!tpu.dma_semaphore, #tpu.memory_space<semaphore_mem>>)
      %dma_wait3A_404 = arith.constant 0 : i32
      %dma_wait3A_405 = arith.constant 0 : i32
      %dma_wait3A_406 = tpu.memref_slice %arg3[%dma_wait3A_404, %dma_wait3A_405] : memref<1000000x128xf32, #tpu.memory_space<hbm>> -> memref<200x128xf32, #tpu.memory_space<hbm>>
      %dma_wait3A_407 = arith.constant 0 : i32
      %dma_wait3A_408 = arith.constant 0 : i32
      %dma_wait3A_409 = tpu.memref_slice %arg3[%dma_wait3A_407, %dma_wait3A_408] : memref<1000000x128xf32, #tpu.memory_space<hbm>> -> memref<200x128xf32, #tpu.memory_space<hbm>>
      tpu.wait_dma2 semaphore(%arg10 : memref<!tpu.dma_semaphore, #tpu.memory_space<semaphore_mem>>) src(%dma_wait3A_409 : memref<200x128xf32, #tpu.memory_space<hbm>>) dst(%arg6 : memref<200x128xf32, #tpu.memory_space<vmem>>)
      %add3A_410 = arith.addi %mul3A_2, %add3A_374 : i32
      %dma_start3A_411 = arith.constant 0 : i32
      %dma_start3A_412 = arith.constant 0 : i32
      %dma_start3A_413 = tpu.memref_slice %arg4[%add3A_410, %dma_start3A_411, %dma_start3A_412] : memref<4096x200x128xf32, #tpu.memory_space<hbm>> -> memref<1x200x128xf32, #tpu.memory_space<hbm>>
      %dma_start3A_414 = tpu.memref_squeeze %dma_start3A_413 : memref<1x200x128xf32, #tpu.memory_space<hbm>> -> memref<200x128xf32, #tpu.memory_space<hbm>>
      %dma_start3A_415 = arith.constant 0 : i32
      %dma_start3A_416 = arith.constant 0 : i32
      %dma_start3A_417 = tpu.memref_slice %arg4[%add3A_410, %dma_start3A_415, %dma_start3A_416] : memref<4096x200x128xf32, #tpu.memory_space<hbm>> -> memref<1x200x128xf32, #tpu.memory_space<hbm>>
      %dma_start3A_418 = tpu.memref_squeeze %dma_start3A_417 : memref<1x200x128xf32, #tpu.memory_space<hbm>> -> memref<200x128xf32, #tpu.memory_space<hbm>>
      tpu.enqueue_dma source(%arg6 : memref<200x128xf32, #tpu.memory_space<vmem>>) target(%dma_start3A_418 : memref<200x128xf32, #tpu.memory_space<hbm>>) target_semaphore(%arg14 : memref<!tpu.dma_semaphore, #tpu.memory_space<semaphore_mem>>)
      %add3A_419 = arith.constant 1 : i32
      %add3A_420 = arith.addi %add3A_372, %add3A_419 : i32
      %dma_wait3A_421 = arith.constant 0 : i32
      %dma_wait3A_422 = arith.constant 0 : i32
      %dma_wait3A_423 = tpu.memref_slice %arg4[%mul3A_2, %dma_wait3A_421, %dma_wait3A_422] : memref<4096x200x128xf32, #tpu.memory_space<hbm>> -> memref<1x200x128xf32, #tpu.memory_space<hbm>>
      %dma_wait3A_424 = tpu.memref_squeeze %dma_wait3A_423 : memref<1x200x128xf32, #tpu.memory_space<hbm>> -> memref<200x128xf32, #tpu.memory_space<hbm>>
      %dma_wait3A_425 = arith.constant 0 : i32
      %dma_wait3A_426 = arith.constant 0 : i32
      %dma_wait3A_427 = tpu.memref_slice %arg4[%mul3A_2, %dma_wait3A_425, %dma_wait3A_426] : memref<4096x200x128xf32, #tpu.memory_space<hbm>> -> memref<1x200x128xf32, #tpu.memory_space<hbm>>
      %dma_wait3A_428 = tpu.memref_squeeze %dma_wait3A_427 : memref<1x200x128xf32, #tpu.memory_space<hbm>> -> memref<200x128xf32, #tpu.memory_space<hbm>>
      tpu.wait_dma2 semaphore(%arg14 : memref<!tpu.dma_semaphore, #tpu.memory_space<semaphore_mem>>) src(%arg6 : memref<200x128xf32, #tpu.memory_space<vmem>>) dst(%dma_wait3A_428 : memref<200x128xf32, #tpu.memory_space<hbm>>)
      %add3A_429 = arith.constant 3 : i32
      %add3A_430 = arith.addi %add3A_420, %add3A_429 : i32
      %and3A_431 = arith.constant 63 : i32
      %and3A_432 = arith.andi %add3A_430, %and3A_431 : i32
      %dma_start3A_433 = arith.constant 0 : i32
      %dma_start3A_434 = arith.constant 0 : i32
      %dma_start3A_435 = tpu.memref_slice %arg6[%dma_start3A_433, %dma_start3A_434] : memref<200x128xf32, #tpu.memory_space<vmem>> -> memref<128x128xf32, #tpu.memory_space<vmem>>
      %dma_start3A_436 = arith.constant 0 : i32
      %dma_start3A_437 = tpu.memref_slice %arg5[%and3A_432, %dma_start3A_436] : memref<64x256xi32, #tpu.memory_space<vmem>> -> memref<1x128xi32, #tpu.memory_space<vmem>>
      %dma_start3A_438 = tpu.memref_squeeze %dma_start3A_437 : memref<1x128xi32, #tpu.memory_space<vmem>> -> memref<128xi32, #tpu.memory_space<vmem>>
      %dma_start3A_439 = arith.constant 0 : i32
      %dma_start3A_440 = arith.constant 0 : i32
      %dma_start3A_441 = tpu.memref_slice %arg3[%dma_start3A_439, %dma_start3A_440] : memref<1000000x128xf32, #tpu.memory_space<hbm>> -> memref<1000000x128xf32, #tpu.memory_space<hbm>>
      tpu.enqueue_indirect_dma source(%dma_start3A_441 : memref<1000000x128xf32, #tpu.memory_space<hbm>>) target(%dma_start3A_435 : memref<128x128xf32, #tpu.memory_space<vmem>>) offsets(%dma_start3A_438 : memref<128xi32, #tpu.memory_space<vmem>>) semaphore(%arg10 : memref<!tpu.dma_semaphore, #tpu.memory_space<semaphore_mem>>)
      %dma_start3A_442 = arith.constant 128 : i32
      %dma_start3A_443 = arith.constant 0 : i32
      %dma_start3A_444 = tpu.memref_slice %arg6[%dma_start3A_442, %dma_start3A_443] : memref<200x128xf32, #tpu.memory_space<vmem>> -> memref<72x128xf32, #tpu.memory_space<vmem>>
      %dma_start3A_445 = arith.constant 128 : i32
      %dma_start3A_446 = tpu.memref_slice %arg5[%and3A_432, %dma_start3A_445] : memref<64x256xi32, #tpu.memory_space<vmem>> -> memref<1x72xi32, #tpu.memory_space<vmem>>
      %dma_start3A_447 = tpu.memref_squeeze %dma_start3A_446 : memref<1x72xi32, #tpu.memory_space<vmem>> -> memref<72xi32, #tpu.memory_space<vmem>>
      %dma_start3A_448 = arith.constant 0 : i32
      %dma_start3A_449 = arith.constant 0 : i32
      %dma_start3A_450 = tpu.memref_slice %arg3[%dma_start3A_448, %dma_start3A_449] : memref<1000000x128xf32, #tpu.memory_space<hbm>> -> memref<1000000x128xf32, #tpu.memory_space<hbm>>
      tpu.enqueue_indirect_dma source(%dma_start3A_450 : memref<1000000x128xf32, #tpu.memory_space<hbm>>) target(%dma_start3A_444 : memref<72x128xf32, #tpu.memory_space<vmem>>) offsets(%dma_start3A_447 : memref<72xi32, #tpu.memory_space<vmem>>) semaphore(%arg10 : memref<!tpu.dma_semaphore, #tpu.memory_space<semaphore_mem>>)
      %dma_wait3A_451 = arith.constant 0 : i32
      %dma_wait3A_452 = arith.constant 0 : i32
      %dma_wait3A_453 = tpu.memref_slice %arg3[%dma_wait3A_451, %dma_wait3A_452] : memref<1000000x128xf32, #tpu.memory_space<hbm>> -> memref<200x128xf32, #tpu.memory_space<hbm>>
      %dma_wait3A_454 = arith.constant 0 : i32
      %dma_wait3A_455 = arith.constant 0 : i32
      %dma_wait3A_456 = tpu.memref_slice %arg3[%dma_wait3A_454, %dma_wait3A_455] : memref<1000000x128xf32, #tpu.memory_space<hbm>> -> memref<200x128xf32, #tpu.memory_space<hbm>>
      tpu.wait_dma2 semaphore(%arg11 : memref<!tpu.dma_semaphore, #tpu.memory_space<semaphore_mem>>) src(%dma_wait3A_456 : memref<200x128xf32, #tpu.memory_space<hbm>>) dst(%arg7 : memref<200x128xf32, #tpu.memory_space<vmem>>)
      %add3A_457 = arith.addi %mul3A_2, %add3A_420 : i32
      %dma_start3A_458 = arith.constant 0 : i32
      %dma_start3A_459 = arith.constant 0 : i32
      %dma_start3A_460 = tpu.memref_slice %arg4[%add3A_457, %dma_start3A_458, %dma_start3A_459] : memref<4096x200x128xf32, #tpu.memory_space<hbm>> -> memref<1x200x128xf32, #tpu.memory_space<hbm>>
      %dma_start3A_461 = tpu.memref_squeeze %dma_start3A_460 : memref<1x200x128xf32, #tpu.memory_space<hbm>> -> memref<200x128xf32, #tpu.memory_space<hbm>>
      %dma_start3A_462 = arith.constant 0 : i32
      %dma_start3A_463 = arith.constant 0 : i32
      %dma_start3A_464 = tpu.memref_slice %arg4[%add3A_457, %dma_start3A_462, %dma_start3A_463] : memref<4096x200x128xf32, #tpu.memory_space<hbm>> -> memref<1x200x128xf32, #tpu.memory_space<hbm>>
      %dma_start3A_465 = tpu.memref_squeeze %dma_start3A_464 : memref<1x200x128xf32, #tpu.memory_space<hbm>> -> memref<200x128xf32, #tpu.memory_space<hbm>>
      tpu.enqueue_dma source(%arg7 : memref<200x128xf32, #tpu.memory_space<vmem>>) target(%dma_start3A_465 : memref<200x128xf32, #tpu.memory_space<hbm>>) target_semaphore(%arg15 : memref<!tpu.dma_semaphore, #tpu.memory_space<semaphore_mem>>)
      %add3A_466 = arith.constant 2 : i32
      %add3A_467 = arith.addi %add3A_372, %add3A_466 : i32
      %dma_wait3A_468 = arith.constant 0 : i32
      %dma_wait3A_469 = arith.constant 0 : i32
      %dma_wait3A_470 = tpu.memref_slice %arg4[%mul3A_2, %dma_wait3A_468, %dma_wait3A_469] : memref<4096x200x128xf32, #tpu.memory_space<hbm>> -> memref<1x200x128xf32, #tpu.memory_space<hbm>>
      %dma_wait3A_471 = tpu.memref_squeeze %dma_wait3A_470 : memref<1x200x128xf32, #tpu.memory_space<hbm>> -> memref<200x128xf32, #tpu.memory_space<hbm>>
      %dma_wait3A_472 = arith.constant 0 : i32
      %dma_wait3A_473 = arith.constant 0 : i32
      %dma_wait3A_474 = tpu.memref_slice %arg4[%mul3A_2, %dma_wait3A_472, %dma_wait3A_473] : memref<4096x200x128xf32, #tpu.memory_space<hbm>> -> memref<1x200x128xf32, #tpu.memory_space<hbm>>
      %dma_wait3A_475 = tpu.memref_squeeze %dma_wait3A_474 : memref<1x200x128xf32, #tpu.memory_space<hbm>> -> memref<200x128xf32, #tpu.memory_space<hbm>>
      tpu.wait_dma2 semaphore(%arg15 : memref<!tpu.dma_semaphore, #tpu.memory_space<semaphore_mem>>) src(%arg7 : memref<200x128xf32, #tpu.memory_space<vmem>>) dst(%dma_wait3A_475 : memref<200x128xf32, #tpu.memory_space<hbm>>)
      %add3A_476 = arith.constant 3 : i32
      %add3A_477 = arith.addi %add3A_467, %add3A_476 : i32
      %and3A_478 = arith.constant 63 : i32
      %and3A_479 = arith.andi %add3A_477, %and3A_478 : i32
      %dma_start3A_480 = arith.constant 0 : i32
      %dma_start3A_481 = arith.constant 0 : i32
      %dma_start3A_482 = tpu.memref_slice %arg7[%dma_start3A_480, %dma_start3A_481] : memref<200x128xf32, #tpu.memory_space<vmem>> -> memref<128x128xf32, #tpu.memory_space<vmem>>
      %dma_start3A_483 = arith.constant 0 : i32
      %dma_start3A_484 = tpu.memref_slice %arg5[%and3A_479, %dma_start3A_483] : memref<64x256xi32, #tpu.memory_space<vmem>> -> memref<1x128xi32, #tpu.memory_space<vmem>>
      %dma_start3A_485 = tpu.memref_squeeze %dma_start3A_484 : memref<1x128xi32, #tpu.memory_space<vmem>> -> memref<128xi32, #tpu.memory_space<vmem>>
      %dma_start3A_486 = arith.constant 0 : i32
      %dma_start3A_487 = arith.constant 0 : i32
      %dma_start3A_488 = tpu.memref_slice %arg3[%dma_start3A_486, %dma_start3A_487] : memref<1000000x128xf32, #tpu.memory_space<hbm>> -> memref<1000000x128xf32, #tpu.memory_space<hbm>>
      tpu.enqueue_indirect_dma source(%dma_start3A_488 : memref<1000000x128xf32, #tpu.memory_space<hbm>>) target(%dma_start3A_482 : memref<128x128xf32, #tpu.memory_space<vmem>>) offsets(%dma_start3A_485 : memref<128xi32, #tpu.memory_space<vmem>>) semaphore(%arg11 : memref<!tpu.dma_semaphore, #tpu.memory_space<semaphore_mem>>)
      %dma_start3A_489 = arith.constant 128 : i32
      %dma_start3A_490 = arith.constant 0 : i32
      %dma_start3A_491 = tpu.memref_slice %arg7[%dma_start3A_489, %dma_start3A_490] : memref<200x128xf32, #tpu.memory_space<vmem>> -> memref<72x128xf32, #tpu.memory_space<vmem>>
      %dma_start3A_492 = arith.constant 128 : i32
      %dma_start3A_493 = tpu.memref_slice %arg5[%and3A_479, %dma_start3A_492] : memref<64x256xi32, #tpu.memory_space<vmem>> -> memref<1x72xi32, #tpu.memory_space<vmem>>
      %dma_start3A_494 = tpu.memref_squeeze %dma_start3A_493 : memref<1x72xi32, #tpu.memory_space<vmem>> -> memref<72xi32, #tpu.memory_space<vmem>>
      %dma_start3A_495 = arith.constant 0 : i32
      %dma_start3A_496 = arith.constant 0 : i32
      %dma_start3A_497 = tpu.memref_slice %arg3[%dma_start3A_495, %dma_start3A_496] : memref<1000000x128xf32, #tpu.memory_space<hbm>> -> memref<1000000x128xf32, #tpu.memory_space<hbm>>
      tpu.enqueue_indirect_dma source(%dma_start3A_497 : memref<1000000x128xf32, #tpu.memory_space<hbm>>) target(%dma_start3A_491 : memref<72x128xf32, #tpu.memory_space<vmem>>) offsets(%dma_start3A_494 : memref<72xi32, #tpu.memory_space<vmem>>) semaphore(%arg11 : memref<!tpu.dma_semaphore, #tpu.memory_space<semaphore_mem>>)
      %dma_wait3A_498 = arith.constant 0 : i32
      %dma_wait3A_499 = arith.constant 0 : i32
      %dma_wait3A_500 = tpu.memref_slice %arg3[%dma_wait3A_498, %dma_wait3A_499] : memref<1000000x128xf32, #tpu.memory_space<hbm>> -> memref<200x128xf32, #tpu.memory_space<hbm>>
      %dma_wait3A_501 = arith.constant 0 : i32
      %dma_wait3A_502 = arith.constant 0 : i32
      %dma_wait3A_503 = tpu.memref_slice %arg3[%dma_wait3A_501, %dma_wait3A_502] : memref<1000000x128xf32, #tpu.memory_space<hbm>> -> memref<200x128xf32, #tpu.memory_space<hbm>>
      tpu.wait_dma2 semaphore(%arg12 : memref<!tpu.dma_semaphore, #tpu.memory_space<semaphore_mem>>) src(%dma_wait3A_503 : memref<200x128xf32, #tpu.memory_space<hbm>>) dst(%arg8 : memref<200x128xf32, #tpu.memory_space<vmem>>)
      %add3A_504 = arith.addi %mul3A_2, %add3A_467 : i32
      %dma_start3A_505 = arith.constant 0 : i32
      %dma_start3A_506 = arith.constant 0 : i32
      %dma_start3A_507 = tpu.memref_slice %arg4[%add3A_504, %dma_start3A_505, %dma_start3A_506] : memref<4096x200x128xf32, #tpu.memory_space<hbm>> -> memref<1x200x128xf32, #tpu.memory_space<hbm>>
      %dma_start3A_508 = tpu.memref_squeeze %dma_start3A_507 : memref<1x200x128xf32, #tpu.memory_space<hbm>> -> memref<200x128xf32, #tpu.memory_space<hbm>>
      %dma_start3A_509 = arith.constant 0 : i32
      %dma_start3A_510 = arith.constant 0 : i32
      %dma_start3A_511 = tpu.memref_slice %arg4[%add3A_504, %dma_start3A_509, %dma_start3A_510] : memref<4096x200x128xf32, #tpu.memory_space<hbm>> -> memref<1x200x128xf32, #tpu.memory_space<hbm>>
      %dma_start3A_512 = tpu.memref_squeeze %dma_start3A_511 : memref<1x200x128xf32, #tpu.memory_space<hbm>> -> memref<200x128xf32, #tpu.memory_space<hbm>>
      tpu.enqueue_dma source(%arg8 : memref<200x128xf32, #tpu.memory_space<vmem>>) target(%dma_start3A_512 : memref<200x128xf32, #tpu.memory_space<hbm>>) target_semaphore(%arg16 : memref<!tpu.dma_semaphore, #tpu.memory_space<semaphore_mem>>)
      %add3A_513 = arith.constant 3 : i32
      %add3A_514 = arith.addi %add3A_372, %add3A_513 : i32
      %dma_wait3A_515 = arith.constant 0 : i32
      %dma_wait3A_516 = arith.constant 0 : i32
      %dma_wait3A_517 = tpu.memref_slice %arg4[%mul3A_2, %dma_wait3A_515, %dma_wait3A_516] : memref<4096x200x128xf32, #tpu.memory_space<hbm>> -> memref<1x200x128xf32, #tpu.memory_space<hbm>>
      %dma_wait3A_518 = tpu.memref_squeeze %dma_wait3A_517 : memref<1x200x128xf32, #tpu.memory_space<hbm>> -> memref<200x128xf32, #tpu.memory_space<hbm>>
      %dma_wait3A_519 = arith.constant 0 : i32
      %dma_wait3A_520 = arith.constant 0 : i32
      %dma_wait3A_521 = tpu.memref_slice %arg4[%mul3A_2, %dma_wait3A_519, %dma_wait3A_520] : memref<4096x200x128xf32, #tpu.memory_space<hbm>> -> memref<1x200x128xf32, #tpu.memory_space<hbm>>
      %dma_wait3A_522 = tpu.memref_squeeze %dma_wait3A_521 : memref<1x200x128xf32, #tpu.memory_space<hbm>> -> memref<200x128xf32, #tpu.memory_space<hbm>>
      tpu.wait_dma2 semaphore(%arg16 : memref<!tpu.dma_semaphore, #tpu.memory_space<semaphore_mem>>) src(%arg8 : memref<200x128xf32, #tpu.memory_space<vmem>>) dst(%dma_wait3A_522 : memref<200x128xf32, #tpu.memory_space<hbm>>)
      %add3A_523 = arith.constant 3 : i32
      %add3A_524 = arith.addi %add3A_514, %add3A_523 : i32
      %and3A_525 = arith.constant 63 : i32
      %and3A_526 = arith.andi %add3A_524, %and3A_525 : i32
      %dma_start3A_527 = arith.constant 0 : i32
      %dma_start3A_528 = arith.constant 0 : i32
      %dma_start3A_529 = tpu.memref_slice %arg8[%dma_start3A_527, %dma_start3A_528] : memref<200x128xf32, #tpu.memory_space<vmem>> -> memref<128x128xf32, #tpu.memory_space<vmem>>
      %dma_start3A_530 = arith.constant 0 : i32
      %dma_start3A_531 = tpu.memref_slice %arg5[%and3A_526, %dma_start3A_530] : memref<64x256xi32, #tpu.memory_space<vmem>> -> memref<1x128xi32, #tpu.memory_space<vmem>>
      %dma_start3A_532 = tpu.memref_squeeze %dma_start3A_531 : memref<1x128xi32, #tpu.memory_space<vmem>> -> memref<128xi32, #tpu.memory_space<vmem>>
      %dma_start3A_533 = arith.constant 0 : i32
      %dma_start3A_534 = arith.constant 0 : i32
      %dma_start3A_535 = tpu.memref_slice %arg3[%dma_start3A_533, %dma_start3A_534] : memref<1000000x128xf32, #tpu.memory_space<hbm>> -> memref<1000000x128xf32, #tpu.memory_space<hbm>>
      tpu.enqueue_indirect_dma source(%dma_start3A_535 : memref<1000000x128xf32, #tpu.memory_space<hbm>>) target(%dma_start3A_529 : memref<128x128xf32, #tpu.memory_space<vmem>>) offsets(%dma_start3A_532 : memref<128xi32, #tpu.memory_space<vmem>>) semaphore(%arg12 : memref<!tpu.dma_semaphore, #tpu.memory_space<semaphore_mem>>)
      %dma_start3A_536 = arith.constant 128 : i32
      %dma_start3A_537 = arith.constant 0 : i32
      %dma_start3A_538 = tpu.memref_slice %arg8[%dma_start3A_536, %dma_start3A_537] : memref<200x128xf32, #tpu.memory_space<vmem>> -> memref<72x128xf32, #tpu.memory_space<vmem>>
      %dma_start3A_539 = arith.constant 128 : i32
      %dma_start3A_540 = tpu.memref_slice %arg5[%and3A_526, %dma_start3A_539] : memref<64x256xi32, #tpu.memory_space<vmem>> -> memref<1x72xi32, #tpu.memory_space<vmem>>
      %dma_start3A_541 = tpu.memref_squeeze %dma_start3A_540 : memref<1x72xi32, #tpu.memory_space<vmem>> -> memref<72xi32, #tpu.memory_space<vmem>>
      %dma_start3A_542 = arith.constant 0 : i32
      %dma_start3A_543 = arith.constant 0 : i32
      %dma_start3A_544 = tpu.memref_slice %arg3[%dma_start3A_542, %dma_start3A_543] : memref<1000000x128xf32, #tpu.memory_space<hbm>> -> memref<1000000x128xf32, #tpu.memory_space<hbm>>
      tpu.enqueue_indirect_dma source(%dma_start3A_544 : memref<1000000x128xf32, #tpu.memory_space<hbm>>) target(%dma_start3A_538 : memref<72x128xf32, #tpu.memory_space<vmem>>) offsets(%dma_start3A_541 : memref<72xi32, #tpu.memory_space<vmem>>) semaphore(%arg12 : memref<!tpu.dma_semaphore, #tpu.memory_space<semaphore_mem>>)
      %dma_wait3A_545 = arith.constant 0 : i32
      %dma_wait3A_546 = arith.constant 0 : i32
      %dma_wait3A_547 = tpu.memref_slice %arg3[%dma_wait3A_545, %dma_wait3A_546] : memref<1000000x128xf32, #tpu.memory_space<hbm>> -> memref<200x128xf32, #tpu.memory_space<hbm>>
      %dma_wait3A_548 = arith.constant 0 : i32
      %dma_wait3A_549 = arith.constant 0 : i32
      %dma_wait3A_550 = tpu.memref_slice %arg3[%dma_wait3A_548, %dma_wait3A_549] : memref<1000000x128xf32, #tpu.memory_space<hbm>> -> memref<200x128xf32, #tpu.memory_space<hbm>>
      tpu.wait_dma2 semaphore(%arg13 : memref<!tpu.dma_semaphore, #tpu.memory_space<semaphore_mem>>) src(%dma_wait3A_550 : memref<200x128xf32, #tpu.memory_space<hbm>>) dst(%arg9 : memref<200x128xf32, #tpu.memory_space<vmem>>)
      %add3A_551 = arith.addi %mul3A_2, %add3A_514 : i32
      %dma_start3A_552 = arith.constant 0 : i32
      %dma_start3A_553 = arith.constant 0 : i32
      %dma_start3A_554 = tpu.memref_slice %arg4[%add3A_551, %dma_start3A_552, %dma_start3A_553] : memref<4096x200x128xf32, #tpu.memory_space<hbm>> -> memref<1x200x128xf32, #tpu.memory_space<hbm>>
      %dma_start3A_555 = tpu.memref_squeeze %dma_start3A_554 : memref<1x200x128xf32, #tpu.memory_space<hbm>> -> memref<200x128xf32, #tpu.memory_space<hbm>>
      %dma_start3A_556 = arith.constant 0 : i32
      %dma_start3A_557 = arith.constant 0 : i32
      %dma_start3A_558 = tpu.memref_slice %arg4[%add3A_551, %dma_start3A_556, %dma_start3A_557] : memref<4096x200x128xf32, #tpu.memory_space<hbm>> -> memref<1x200x128xf32, #tpu.memory_space<hbm>>
      %dma_start3A_559 = tpu.memref_squeeze %dma_start3A_558 : memref<1x200x128xf32, #tpu.memory_space<hbm>> -> memref<200x128xf32, #tpu.memory_space<hbm>>
      tpu.enqueue_dma source(%arg9 : memref<200x128xf32, #tpu.memory_space<vmem>>) target(%dma_start3A_559 : memref<200x128xf32, #tpu.memory_space<hbm>>) target_semaphore(%arg17 : memref<!tpu.dma_semaphore, #tpu.memory_space<semaphore_mem>>)
    }
    %scan3A_243 = arith.constant 15 : i32
    %dma_wait3A_244 = arith.constant 0 : i32
    %dma_wait3A_245 = arith.constant 0 : i32
    %dma_wait3A_246 = tpu.memref_slice %arg4[%mul3A_2, %dma_wait3A_244, %dma_wait3A_245] : memref<4096x200x128xf32, #tpu.memory_space<hbm>> -> memref<1x200x128xf32, #tpu.memory_space<hbm>>
    %dma_wait3A_247 = tpu.memref_squeeze %dma_wait3A_246 : memref<1x200x128xf32, #tpu.memory_space<hbm>> -> memref<200x128xf32, #tpu.memory_space<hbm>>
    %dma_wait3A_248 = arith.constant 0 : i32
    %dma_wait3A_249 = arith.constant 0 : i32
    %dma_wait3A_250 = tpu.memref_slice %arg4[%mul3A_2, %dma_wait3A_248, %dma_wait3A_249] : memref<4096x200x128xf32, #tpu.memory_space<hbm>> -> memref<1x200x128xf32, #tpu.memory_space<hbm>>
    %dma_wait3A_251 = tpu.memref_squeeze %dma_wait3A_250 : memref<1x200x128xf32, #tpu.memory_space<hbm>> -> memref<200x128xf32, #tpu.memory_space<hbm>>
    tpu.wait_dma2 semaphore(%arg17 : memref<!tpu.dma_semaphore, #tpu.memory_space<semaphore_mem>>) src(%arg9 : memref<200x128xf32, #tpu.memory_space<vmem>>) dst(%dma_wait3A_251 : memref<200x128xf32, #tpu.memory_space<hbm>>)
    %dma_start3A_252 = arith.constant 63 : i32
    %dma_start3A_253 = arith.constant 0 : i32
    %dma_start3A_254 = arith.constant 0 : i32
    %dma_start3A_255 = tpu.memref_slice %arg9[%dma_start3A_253, %dma_start3A_254] : memref<200x128xf32, #tpu.memory_space<vmem>> -> memref<128x128xf32, #tpu.memory_space<vmem>>
    %dma_start3A_256 = arith.constant 0 : i32
    %dma_start3A_257 = tpu.memref_slice %arg5[%dma_start3A_252, %dma_start3A_256] : memref<64x256xi32, #tpu.memory_space<vmem>> -> memref<1x128xi32, #tpu.memory_space<vmem>>
    %dma_start3A_258 = tpu.memref_squeeze %dma_start3A_257 : memref<1x128xi32, #tpu.memory_space<vmem>> -> memref<128xi32, #tpu.memory_space<vmem>>
    %dma_start3A_259 = arith.constant 0 : i32
    %dma_start3A_260 = arith.constant 0 : i32
    %dma_start3A_261 = tpu.memref_slice %arg3[%dma_start3A_259, %dma_start3A_260] : memref<1000000x128xf32, #tpu.memory_space<hbm>> -> memref<1000000x128xf32, #tpu.memory_space<hbm>>
    tpu.enqueue_indirect_dma source(%dma_start3A_261 : memref<1000000x128xf32, #tpu.memory_space<hbm>>) target(%dma_start3A_255 : memref<128x128xf32, #tpu.memory_space<vmem>>) offsets(%dma_start3A_258 : memref<128xi32, #tpu.memory_space<vmem>>) semaphore(%arg13 : memref<!tpu.dma_semaphore, #tpu.memory_space<semaphore_mem>>)
    %dma_start3A_262 = arith.constant 63 : i32
    %dma_start3A_263 = arith.constant 128 : i32
    %dma_start3A_264 = arith.constant 0 : i32
    %dma_start3A_265 = tpu.memref_slice %arg9[%dma_start3A_263, %dma_start3A_264] : memref<200x128xf32, #tpu.memory_space<vmem>> -> memref<72x128xf32, #tpu.memory_space<vmem>>
    %dma_start3A_266 = arith.constant 128 : i32
    %dma_start3A_267 = tpu.memref_slice %arg5[%dma_start3A_262, %dma_start3A_266] : memref<64x256xi32, #tpu.memory_space<vmem>> -> memref<1x72xi32, #tpu.memory_space<vmem>>
    %dma_start3A_268 = tpu.memref_squeeze %dma_start3A_267 : memref<1x72xi32, #tpu.memory_space<vmem>> -> memref<72xi32, #tpu.memory_space<vmem>>
    %dma_start3A_269 = arith.constant 0 : i32
    %dma_start3A_270 = arith.constant 0 : i32
    %dma_start3A_271 = tpu.memref_slice %arg3[%dma_start3A_269, %dma_start3A_270] : memref<1000000x128xf32, #tpu.memory_space<hbm>> -> memref<1000000x128xf32, #tpu.memory_space<hbm>>
    tpu.enqueue_indirect_dma source(%dma_start3A_271 : memref<1000000x128xf32, #tpu.memory_space<hbm>>) target(%dma_start3A_265 : memref<72x128xf32, #tpu.memory_space<vmem>>) offsets(%dma_start3A_268 : memref<72xi32, #tpu.memory_space<vmem>>) semaphore(%arg13 : memref<!tpu.dma_semaphore, #tpu.memory_space<semaphore_mem>>)
    %dma_wait3A_272 = arith.constant 0 : i32
    %dma_wait3A_273 = arith.constant 0 : i32
    %dma_wait3A_274 = tpu.memref_slice %arg3[%dma_wait3A_272, %dma_wait3A_273] : memref<1000000x128xf32, #tpu.memory_space<hbm>> -> memref<200x128xf32, #tpu.memory_space<hbm>>
    %dma_wait3A_275 = arith.constant 0 : i32
    %dma_wait3A_276 = arith.constant 0 : i32
    %dma_wait3A_277 = tpu.memref_slice %arg3[%dma_wait3A_275, %dma_wait3A_276] : memref<1000000x128xf32, #tpu.memory_space<hbm>> -> memref<200x128xf32, #tpu.memory_space<hbm>>
    tpu.wait_dma2 semaphore(%arg10 : memref<!tpu.dma_semaphore, #tpu.memory_space<semaphore_mem>>) src(%dma_wait3A_277 : memref<200x128xf32, #tpu.memory_space<hbm>>) dst(%arg6 : memref<200x128xf32, #tpu.memory_space<vmem>>)
    %add3A_278 = arith.constant 124 : i32
    %add3A_279 = arith.addi %mul3A_2, %add3A_278 : i32
    %dma_start3A_280 = arith.constant 0 : i32
    %dma_start3A_281 = arith.constant 0 : i32
    %dma_start3A_282 = tpu.memref_slice %arg4[%add3A_279, %dma_start3A_280, %dma_start3A_281] : memref<4096x200x128xf32, #tpu.memory_space<hbm>> -> memref<1x200x128xf32, #tpu.memory_space<hbm>>
    %dma_start3A_283 = tpu.memref_squeeze %dma_start3A_282 : memref<1x200x128xf32, #tpu.memory_space<hbm>> -> memref<200x128xf32, #tpu.memory_space<hbm>>
    %dma_start3A_284 = arith.constant 0 : i32
    %dma_start3A_285 = arith.constant 0 : i32
    %dma_start3A_286 = tpu.memref_slice %arg4[%add3A_279, %dma_start3A_284, %dma_start3A_285] : memref<4096x200x128xf32, #tpu.memory_space<hbm>> -> memref<1x200x128xf32, #tpu.memory_space<hbm>>
    %dma_start3A_287 = tpu.memref_squeeze %dma_start3A_286 : memref<1x200x128xf32, #tpu.memory_space<hbm>> -> memref<200x128xf32, #tpu.memory_space<hbm>>
    tpu.enqueue_dma source(%arg6 : memref<200x128xf32, #tpu.memory_space<vmem>>) target(%dma_start3A_287 : memref<200x128xf32, #tpu.memory_space<hbm>>) target_semaphore(%arg14 : memref<!tpu.dma_semaphore, #tpu.memory_space<semaphore_mem>>)
    %dma_wait3A_288 = arith.constant 0 : i32
    %dma_wait3A_289 = arith.constant 0 : i32
    %dma_wait3A_290 = tpu.memref_slice %arg3[%dma_wait3A_288, %dma_wait3A_289] : memref<1000000x128xf32, #tpu.memory_space<hbm>> -> memref<200x128xf32, #tpu.memory_space<hbm>>
    %dma_wait3A_291 = arith.constant 0 : i32
    %dma_wait3A_292 = arith.constant 0 : i32
    %dma_wait3A_293 = tpu.memref_slice %arg3[%dma_wait3A_291, %dma_wait3A_292] : memref<1000000x128xf32, #tpu.memory_space<hbm>> -> memref<200x128xf32, #tpu.memory_space<hbm>>
    tpu.wait_dma2 semaphore(%arg11 : memref<!tpu.dma_semaphore, #tpu.memory_space<semaphore_mem>>) src(%dma_wait3A_293 : memref<200x128xf32, #tpu.memory_space<hbm>>) dst(%arg7 : memref<200x128xf32, #tpu.memory_space<vmem>>)
    %add3A_294 = arith.constant 125 : i32
    %add3A_295 = arith.addi %mul3A_2, %add3A_294 : i32
    %dma_start3A_296 = arith.constant 0 : i32
    %dma_start3A_297 = arith.constant 0 : i32
    %dma_start3A_298 = tpu.memref_slice %arg4[%add3A_295, %dma_start3A_296, %dma_start3A_297] : memref<4096x200x128xf32, #tpu.memory_space<hbm>> -> memref<1x200x128xf32, #tpu.memory_space<hbm>>
    %dma_start3A_299 = tpu.memref_squeeze %dma_start3A_298 : memref<1x200x128xf32, #tpu.memory_space<hbm>> -> memref<200x128xf32, #tpu.memory_space<hbm>>
    %dma_start3A_300 = arith.constant 0 : i32
    %dma_start3A_301 = arith.constant 0 : i32
    %dma_start3A_302 = tpu.memref_slice %arg4[%add3A_295, %dma_start3A_300, %dma_start3A_301] : memref<4096x200x128xf32, #tpu.memory_space<hbm>> -> memref<1x200x128xf32, #tpu.memory_space<hbm>>
    %dma_start3A_303 = tpu.memref_squeeze %dma_start3A_302 : memref<1x200x128xf32, #tpu.memory_space<hbm>> -> memref<200x128xf32, #tpu.memory_space<hbm>>
    tpu.enqueue_dma source(%arg7 : memref<200x128xf32, #tpu.memory_space<vmem>>) target(%dma_start3A_303 : memref<200x128xf32, #tpu.memory_space<hbm>>) target_semaphore(%arg15 : memref<!tpu.dma_semaphore, #tpu.memory_space<semaphore_mem>>)
    %dma_wait3A_304 = arith.constant 0 : i32
    %dma_wait3A_305 = arith.constant 0 : i32
    %dma_wait3A_306 = tpu.memref_slice %arg3[%dma_wait3A_304, %dma_wait3A_305] : memref<1000000x128xf32, #tpu.memory_space<hbm>> -> memref<200x128xf32, #tpu.memory_space<hbm>>
    %dma_wait3A_307 = arith.constant 0 : i32
    %dma_wait3A_308 = arith.constant 0 : i32
    %dma_wait3A_309 = tpu.memref_slice %arg3[%dma_wait3A_307, %dma_wait3A_308] : memref<1000000x128xf32, #tpu.memory_space<hbm>> -> memref<200x128xf32, #tpu.memory_space<hbm>>
    tpu.wait_dma2 semaphore(%arg12 : memref<!tpu.dma_semaphore, #tpu.memory_space<semaphore_mem>>) src(%dma_wait3A_309 : memref<200x128xf32, #tpu.memory_space<hbm>>) dst(%arg8 : memref<200x128xf32, #tpu.memory_space<vmem>>)
    %add3A_310 = arith.constant 126 : i32
    %add3A_311 = arith.addi %mul3A_2, %add3A_310 : i32
    %dma_start3A_312 = arith.constant 0 : i32
    %dma_start3A_313 = arith.constant 0 : i32
    %dma_start3A_314 = tpu.memref_slice %arg4[%add3A_311, %dma_start3A_312, %dma_start3A_313] : memref<4096x200x128xf32, #tpu.memory_space<hbm>> -> memref<1x200x128xf32, #tpu.memory_space<hbm>>
    %dma_start3A_315 = tpu.memref_squeeze %dma_start3A_314 : memref<1x200x128xf32, #tpu.memory_space<hbm>> -> memref<200x128xf32, #tpu.memory_space<hbm>>
    %dma_start3A_316 = arith.constant 0 : i32
    %dma_start3A_317 = arith.constant 0 : i32
    %dma_start3A_318 = tpu.memref_slice %arg4[%add3A_311, %dma_start3A_316, %dma_start3A_317] : memref<4096x200x128xf32, #tpu.memory_space<hbm>> -> memref<1x200x128xf32, #tpu.memory_space<hbm>>
    %dma_start3A_319 = tpu.memref_squeeze %dma_start3A_318 : memref<1x200x128xf32, #tpu.memory_space<hbm>> -> memref<200x128xf32, #tpu.memory_space<hbm>>
    tpu.enqueue_dma source(%arg8 : memref<200x128xf32, #tpu.memory_space<vmem>>) target(%dma_start3A_319 : memref<200x128xf32, #tpu.memory_space<hbm>>) target_semaphore(%arg16 : memref<!tpu.dma_semaphore, #tpu.memory_space<semaphore_mem>>)
    %dma_wait3A_320 = arith.constant 0 : i32
    %dma_wait3A_321 = arith.constant 0 : i32
    %dma_wait3A_322 = tpu.memref_slice %arg3[%dma_wait3A_320, %dma_wait3A_321] : memref<1000000x128xf32, #tpu.memory_space<hbm>> -> memref<200x128xf32, #tpu.memory_space<hbm>>
    %dma_wait3A_323 = arith.constant 0 : i32
    %dma_wait3A_324 = arith.constant 0 : i32
    %dma_wait3A_325 = tpu.memref_slice %arg3[%dma_wait3A_323, %dma_wait3A_324] : memref<1000000x128xf32, #tpu.memory_space<hbm>> -> memref<200x128xf32, #tpu.memory_space<hbm>>
    tpu.wait_dma2 semaphore(%arg13 : memref<!tpu.dma_semaphore, #tpu.memory_space<semaphore_mem>>) src(%dma_wait3A_325 : memref<200x128xf32, #tpu.memory_space<hbm>>) dst(%arg9 : memref<200x128xf32, #tpu.memory_space<vmem>>)
    %add3A_326 = arith.constant 127 : i32
    %add3A_327 = arith.addi %mul3A_2, %add3A_326 : i32
    %dma_start3A_328 = arith.constant 0 : i32
    %dma_start3A_329 = arith.constant 0 : i32
    %dma_start3A_330 = tpu.memref_slice %arg4[%add3A_327, %dma_start3A_328, %dma_start3A_329] : memref<4096x200x128xf32, #tpu.memory_space<hbm>> -> memref<1x200x128xf32, #tpu.memory_space<hbm>>
    %dma_start3A_331 = tpu.memref_squeeze %dma_start3A_330 : memref<1x200x128xf32, #tpu.memory_space<hbm>> -> memref<200x128xf32, #tpu.memory_space<hbm>>
    %dma_start3A_332 = arith.constant 0 : i32
    %dma_start3A_333 = arith.constant 0 : i32
    %dma_start3A_334 = tpu.memref_slice %arg4[%add3A_327, %dma_start3A_332, %dma_start3A_333] : memref<4096x200x128xf32, #tpu.memory_space<hbm>> -> memref<1x200x128xf32, #tpu.memory_space<hbm>>
    %dma_start3A_335 = tpu.memref_squeeze %dma_start3A_334 : memref<1x200x128xf32, #tpu.memory_space<hbm>> -> memref<200x128xf32, #tpu.memory_space<hbm>>
    tpu.enqueue_dma source(%arg9 : memref<200x128xf32, #tpu.memory_space<vmem>>) target(%dma_start3A_335 : memref<200x128xf32, #tpu.memory_space<hbm>>) target_semaphore(%arg17 : memref<!tpu.dma_semaphore, #tpu.memory_space<semaphore_mem>>)
    %dma_wait3A_336 = arith.constant 0 : i32
    %dma_wait3A_337 = arith.constant 0 : i32
    %dma_wait3A_338 = tpu.memref_slice %arg4[%mul3A_2, %dma_wait3A_336, %dma_wait3A_337] : memref<4096x200x128xf32, #tpu.memory_space<hbm>> -> memref<1x200x128xf32, #tpu.memory_space<hbm>>
    %dma_wait3A_339 = tpu.memref_squeeze %dma_wait3A_338 : memref<1x200x128xf32, #tpu.memory_space<hbm>> -> memref<200x128xf32, #tpu.memory_space<hbm>>
    %dma_wait3A_340 = arith.constant 0 : i32
    %dma_wait3A_341 = arith.constant 0 : i32
    %dma_wait3A_342 = tpu.memref_slice %arg4[%mul3A_2, %dma_wait3A_340, %dma_wait3A_341] : memref<4096x200x128xf32, #tpu.memory_space<hbm>> -> memref<1x200x128xf32, #tpu.memory_space<hbm>>
    %dma_wait3A_343 = tpu.memref_squeeze %dma_wait3A_342 : memref<1x200x128xf32, #tpu.memory_space<hbm>> -> memref<200x128xf32, #tpu.memory_space<hbm>>
    tpu.wait_dma2 semaphore(%arg14 : memref<!tpu.dma_semaphore, #tpu.memory_space<semaphore_mem>>) src(%arg6 : memref<200x128xf32, #tpu.memory_space<vmem>>) dst(%dma_wait3A_343 : memref<200x128xf32, #tpu.memory_space<hbm>>)
    %dma_wait3A_344 = arith.constant 0 : i32
    %dma_wait3A_345 = arith.constant 0 : i32
    %dma_wait3A_346 = tpu.memref_slice %arg4[%mul3A_2, %dma_wait3A_344, %dma_wait3A_345] : memref<4096x200x128xf32, #tpu.memory_space<hbm>> -> memref<1x200x128xf32, #tpu.memory_space<hbm>>
    %dma_wait3A_347 = tpu.memref_squeeze %dma_wait3A_346 : memref<1x200x128xf32, #tpu.memory_space<hbm>> -> memref<200x128xf32, #tpu.memory_space<hbm>>
    %dma_wait3A_348 = arith.constant 0 : i32
    %dma_wait3A_349 = arith.constant 0 : i32
    %dma_wait3A_350 = tpu.memref_slice %arg4[%mul3A_2, %dma_wait3A_348, %dma_wait3A_349] : memref<4096x200x128xf32, #tpu.memory_space<hbm>> -> memref<1x200x128xf32, #tpu.memory_space<hbm>>
    %dma_wait3A_351 = tpu.memref_squeeze %dma_wait3A_350 : memref<1x200x128xf32, #tpu.memory_space<hbm>> -> memref<200x128xf32, #tpu.memory_space<hbm>>
    tpu.wait_dma2 semaphore(%arg15 : memref<!tpu.dma_semaphore, #tpu.memory_space<semaphore_mem>>) src(%arg7 : memref<200x128xf32, #tpu.memory_space<vmem>>) dst(%dma_wait3A_351 : memref<200x128xf32, #tpu.memory_space<hbm>>)
    %dma_wait3A_352 = arith.constant 0 : i32
    %dma_wait3A_353 = arith.constant 0 : i32
    %dma_wait3A_354 = tpu.memref_slice %arg4[%mul3A_2, %dma_wait3A_352, %dma_wait3A_353] : memref<4096x200x128xf32, #tpu.memory_space<hbm>> -> memref<1x200x128xf32, #tpu.memory_space<hbm>>
    %dma_wait3A_355 = tpu.memref_squeeze %dma_wait3A_354 : memref<1x200x128xf32, #tpu.memory_space<hbm>> -> memref<200x128xf32, #tpu.memory_space<hbm>>
    %dma_wait3A_356 = arith.constant 0 : i32
    %dma_wait3A_357 = arith.constant 0 : i32
    %dma_wait3A_358 = tpu.memref_slice %arg4[%mul3A_2, %dma_wait3A_356, %dma_wait3A_357] : memref<4096x200x128xf32, #tpu.memory_space<hbm>> -> memref<1x200x128xf32, #tpu.memory_space<hbm>>
    %dma_wait3A_359 = tpu.memref_squeeze %dma_wait3A_358 : memref<1x200x128xf32, #tpu.memory_space<hbm>> -> memref<200x128xf32, #tpu.memory_space<hbm>>
    tpu.wait_dma2 semaphore(%arg16 : memref<!tpu.dma_semaphore, #tpu.memory_space<semaphore_mem>>) src(%arg8 : memref<200x128xf32, #tpu.memory_space<vmem>>) dst(%dma_wait3A_359 : memref<200x128xf32, #tpu.memory_space<hbm>>)
    %dma_wait3A_360 = arith.constant 0 : i32
    %dma_wait3A_361 = arith.constant 0 : i32
    %dma_wait3A_362 = tpu.memref_slice %arg4[%mul3A_2, %dma_wait3A_360, %dma_wait3A_361] : memref<4096x200x128xf32, #tpu.memory_space<hbm>> -> memref<1x200x128xf32, #tpu.memory_space<hbm>>
    %dma_wait3A_363 = tpu.memref_squeeze %dma_wait3A_362 : memref<1x200x128xf32, #tpu.memory_space<hbm>> -> memref<200x128xf32, #tpu.memory_space<hbm>>
    %dma_wait3A_364 = arith.constant 0 : i32
    %dma_wait3A_365 = arith.constant 0 : i32
    %dma_wait3A_366 = tpu.memref_slice %arg4[%mul3A_2, %dma_wait3A_364, %dma_wait3A_365] : memref<4096x200x128xf32, #tpu.memory_space<hbm>> -> memref<1x200x128xf32, #tpu.memory_space<hbm>>
    %dma_wait3A_367 = tpu.memref_squeeze %dma_wait3A_366 : memref<1x200x128xf32, #tpu.memory_space<hbm>> -> memref<200x128xf32, #tpu.memory_space<hbm>>
    tpu.wait_dma2 semaphore(%arg17 : memref<!tpu.dma_semaphore, #tpu.memory_space<semaphore_mem>>) src(%arg9 : memref<200x128xf32, #tpu.memory_space<vmem>>) dst(%dma_wait3A_367 : memref<200x128xf32, #tpu.memory_space<hbm>>)
    return
  }
}

</mosaic_0001>

<sc_bundles>
// kernel: kernel.3.cloned.1.call-start
scs
__scs_entry_jumppad:
0x0: {  	(pc) =	sbr.rel $0x88, $3  }
0x1: {  	(tag) =	ssettag $0x0;
	lr =	simm.s32 $0x1  }
0x2: {  	[smem:$0x3F9F] =	sst lr;
	_ =	strace $0xD0000000  }
0x3: {  	_ = 	snop  }
0x4: {  	_ = 	snop  }
0x5: {  	_ = 	snop  }
0x6: {  	_ = 	snop  }
0x7: {  	_ = 	snop  }
__scs_overlays_trampoline_lowered:
0x8: {  	[smem:$0x3FAE] =	sst s0  }
0x9: {  	[smem:$0x3FAF] =	sst s1  }
0xa: {  	[smem:$0x3FB0] =	sst s2  }
0xb: {  	[smem:$0x3FB1] =	sst s3  }
0xc: {  	[smem:$0x3FB2] =	sst s4  }
0xd: {  	[smem:$0x3FB3] =	sst s5  }
0xe: {  	[smem:$0x3FB4] =	sst s6  }
0xf: {  	[smem:$0x3FB5] =	sst s7  }
0x10: {  	[smem:$0x3FB6] =	sst s8  }
0x11: {  	[smem:$0x3FB7] =	sst s9;
	s0 =	simm.s32 @!p0 $0x0  }
0x12: {  	s1 =	sld [smem:$0x3F9D];
	s0 =	simm.s32 @p0 $0x1  }
0x13: {  	[smem:$0x3FB8] =	sst s0;
	s0 =	simm.s32 @!p1 $0x0  }
0x14: {  	s2 =	sld [smem:$0x3F9C];
	s0 =	simm.s32 @p1 $0x1  }
0x15: {  	[smem:$0x3FB9] =	sst s0;
	s0 =	simm.s32 @!p2 $0x0  }
0x16: {  	s3 =	sld [smem:$0x3FDB];
	s0 =	simm.s32 @p2 $0x1  }
0x17: {  	s4 =	simm.s32 $0x1BF5;
	[smem:$0x3FBB] =	sst s0  }
0x18: {  	s0 =	sld [smem:$0x3F9E];
	_ =	swait.ge [sflag:s4], $0x0  }
0x19: {  	s7 =	sld [smem:$0x3F9F]  }
0x1a: {  	s8 =	sadd.s32 $0xFFFFE003, lr  }
0x1b: {  	s9 =	sadd.s32 $0xFFFFFEF7, lr;
	s5 =	simm.s32 $0xFFFFFFFF;
	p2 =	slt.u32 s8, $0xFFFFF086  }
0x1c: {  	p1 =	slt.u32 s9, $0xF7A;
	s5 =	simm.s32 @!p2 $0x0  }
0x1d: {  	s5 =	simm.s32 @p1 $0x1;
	p0 =	seq.s32 s7, s2  }
0x1e: {  	s7 =	smul.u32 @!p0 $0xF7A, s2;
	p2 =	seq.s32 @!p0 s5, $0x0  }
0x1f: {  	s9 =	smul.u32 $0xF7A, s1;
	s8 =	simm.s32 @!p0 $0x1BF5;
	p2 =	por !p2, p0  }
0x20: {  	[sflag:s8] =	ssyncset.s32 @!p0 $0xFFFFF086;
	s6 =	sadd.s32 @!p0 s3, s7;
	s7 =	simm.s32 @!p0 $0x108  }
0x21: {  	s3 =	sadd.s32 s3, s9;
	s6 =	sadd.s32 @!p0 $0x88, s6;
	s7 =	simm.s32 @p2 $0x1082  }
0x22: {  	[simem:s7], [sflag:s8] =	dma.local @!p0 [hbm:s6], $0xF7A  }
0x23: {  	s9 =	sor.u32 $0xD0000000, s2;
	s6 =	simm.s32 $0x108;
	_ =	swait.ge @!p0 [sflag:s8], $0x0  }
0x24: {  	s3 =	sadd.s32 $0x88, s3;
	s6 =	simm.s32 @!p1 $0x1082;
	[sflag:s4] =	ssyncset.s32 $0xFFFFF086  }
0x25: {  	[simem:s6], [sflag:s4] =	dma.local [hbm:s3], $0xF7A  }
0x26: {  	[smem:$0x3F9F] =	sst s1;
	(tag) =	ssettag s2;
	_ =	strace s9  }
0x27: {  	s1 =	sld [smem:$0x3FAF]  }
0x28: {  	s2 =	sld [smem:$0x3FB0]  }
0x29: {  	s4 =	sld [smem:$0x3FB2]  }
0x2a: {  	p0 =	seq.s32 s5, $0x0;
	s5 =	sld [smem:$0x3FB3]  }
0x2b: {  	s6 =	sld [smem:$0x3FB4]  }
0x2c: {  	s7 =	sld [smem:$0x3FB5]  }
0x2d: {  	s3 =	simm.s32 $0x108;
	s8 =	sld [smem:$0x3FB6]  }
0x2e: {  	s3 =	simm.s32 @!p0 $0x1082;
	s9 =	sld [smem:$0x3FB7]  }
0x2f: {  	lr =	sadd.s32 s0, s3;
	s0 =	sld [smem:$0x3FAE]  }
0x30: {  	s3 =	sld [smem:$0x3FB1]  }
0x31: {  	[smem:$0x3FBA] =	sst s10  }
0x32: {  	s10 =	sld [smem:$0x3FB8];
	_ =	sdelay $0x3  }
0x33: {  	p0 =	seq.s32 s10, $0x1;
	s10 =	sld [smem:$0x3FBA];
	_ =	sdelay $0x3  }
0x34: {  	[smem:$0x3FBA] =	sst s10  }
0x35: {  	s10 =	sld [smem:$0x3FB9];
	_ =	sdelay $0x3  }
0x36: {  	p1 =	seq.s32 s10, $0x1;
	s10 =	sld [smem:$0x3FBA];
	_ =	sdelay $0x3  }
0x37: {  	[smem:$0x3FBA] =	sst s10  }
0x38: {  	s10 =	sld [smem:$0x3FBB]  }
0x39: {  	_ = 	snop;
	(pc) =	sbr.ind lr, $3  }
0x3a: {  	_ = 	snop  }
0x3b: {  	_ = 	snop  }
0x3c: {  	p2 =	seq.s32 s10, $0x1;
	s10 =	sld [smem:$0x3FBA]  }
0x3d: {  	_ =	shalt  }
0x3e: {  	_ =	shalt  }
0x3f: {  	_ =	shalt  }
0x40: {  	_ =	shalt  }
0x41: {  	_ =	shalt  }
0x42: {  	_ =	shalt  }
0x43: {  	_ =	shalt  }
0x44: {  	_ =	shalt  }
0x45: {  	_ =	shalt  }
0x46: {  	_ =	shalt  }
0x47: {  	_ =	shalt  }
0x48: {  	_ =	shalt  }
0x49: {  	_ =	shalt  }
0x4a: {  	_ =	shalt  }
0x4b: {  	_ =	shalt  }
0x4c: {  	_ =	shalt  }
0x4d: {  	_ =	shalt  }
0x4e: {  	_ =	shalt  }
0x4f: {  	_ =	shalt  }
0x50: {  	_ =	shalt  }
0x51: {  	_ =	shalt  }
0x52: {  	_ =	shalt  }
0x53: {  	_ =	shalt  }
0x54: {  	_ =	shalt  }
0x55: {  	_ =	shalt  }
0x56: {  	_ =	shalt  }
0x57: {  	_ =	shalt  }
0x58: {  	_ =	shalt  }
0x59: {  	_ =	shalt  }
0x5a: {  	_ =	shalt  }
0x5b: {  	_ =	shalt  }
0x5c: {  	_ =	shalt  }
0x5d: {  	_ =	shalt  }
0x5e: {  	_ =	shalt  }
0x5f: {  	_ =	shalt  }
0x60: {  	_ =	shalt  }
0x61: {  	_ =	shalt  }
0x62: {  	_ =	shalt  }
0x63: {  	_ =	shalt  }
0x64: {  	_ =	shalt  }
0x65: {  	_ =	shalt  }
0x66: {  	_ =	shalt  }
0x67: {  	_ =	shalt  }
0x68: {  	_ =	shalt  }
0x69: {  	_ =	shalt  }
0x6a: {  	_ =	shalt  }
0x6b: {  	_ =	shalt  }
0x6c: {  	_ =	shalt  }
0x6d: {  	_ =	shalt  }
0x6e: {  	_ =	shalt  }
0x6f: {  	_ =	shalt  }
0x70: {  	_ =	shalt  }
0x71: {  	_ =	shalt  }
0x72: {  	_ =	shalt  }
0x73: {  	_ =	shalt  }
0x74: {  	_ =	shalt  }
0x75: {  	_ =	shalt  }
0x76: {  	_ =	shalt  }
0x77: {  	_ =	shalt  }
0x78: {  	_ =	shalt  }
0x79: {  	_ =	shalt  }
0x7a: {  	_ =	shalt  }
0x7b: {  	_ =	shalt  }
0x7c: {  	_ =	shalt  }
0x7d: {  	_ =	shalt  }
0x7e: {  	_ =	shalt  }
0x7f: {  	_ =	shalt  }
0x80: {  	_ =	shalt  }
0x81: {  	_ =	shalt  }
0x82: {  	_ =	shalt  }
0x83: {  	_ =	shalt  }
0x84: {  	_ =	shalt  }
0x85: {  	_ =	shalt  }
0x86: {  	_ =	shalt  }
0x87: {  	_ =	shalt  }
.Lfunc_end0:
.L_simem_size_0:
called_computation.1_lowered:
.L_overlay_start_0:
0x88: {  	s2 =	sld [smem:$0x3FD9]  }
0x89: {  	s3 =	sld [smem:$0x3FFE];
	_ =	sdelay $0x1  }
0x8a: {  	s1 =	srdreg.scid  }
0x8b: {  	s0 =	sand.u32 $0x1, s1  }
0x8c: {  	s17 =	sshll.u32 s0, $0xA;
	s2 =	sadd.s32 s3, s2  }
0x8d: {  	s2 =	sadd.s32 s2, s17  }
0x8e: {  	[smem:$0x3FC6] =	sst s2  }
0x8f: {  	_ = 	snop  }
0x90: {  	s2 =	sld [smem:$0x3FD0];
	(tm) =	ssettm $0x1  }
0x91: {  	s18 =	sld [smem:$0x3FFB];
	_ =	sdelay $0x3  }
0x92: {  	_ =	strace s18  }
0x93: {  	s3 =	sld [smem:$0x3FFC];
	_ =	sdelay $0x3  }
0x94: {  	_ =	strace s3  }
0x95: {  	s3 =	sld [smem:$0x3FFD];
	_ =	sdelay $0x3  }
0x96: {  	_ =	strace s3  }
0x97: {  	_ =	strace $0x8FFFFFFF  }
0x98: {  	s19 =	sld [smem:$0x3FDB];
	_ =	sdelay $0x1  }
0x99: {  	s4 =	simm.s32 $_scs_section_size  }
0x9a: {  	s5 =	simm.s32 $_size__tile_overlayer_lowered;
	s6 =	simm.s32 $_tile_overlayer_lowered  }
0x9b: {  	s22 =	simm.s32 $0x1BFF;
	s21 =	sshll.u32 s6, $0x1;
	s3 =	sadd.s32 s4, s19  }
0x9c: {  	s7 =	simm.s32 $0x0;
	s20 =	sshll.u32 s5, $0x1;
	s5 =	sadd.s32 s21, s3  }
0x9d: {  	[timem:s7], [sflag:s22] =	dma.local [hbm:s5], s20  }
0x9e: {  	_ =	swait.ge [sflag:s22], s20  }
0x9f: {  	s4 =	ssub.s32 $0x0, s20;
	[sflag:s22] =	ssyncset.done $0x0  }
0xa0: {  	[sflag:s22] =	ssyncadd.s32 s4;
	_ =	sdelay $0x1  }
0xa1: {  	s23 =	simm.s32 $0x1B8B  }
0xa2: {  	_ =	swait.ge [sflag:s23], $0x1  }
0xa3: {  	[sflag:s23] =	ssyncset.done $0x0  }
0xa4: {  	s25 =	simm.s32 $0x1B8E;
	s24 =	sld [smem:$0x3FFE];
	[sflag:s23] =	ssyncadd.s32 $0xFFFFFFFF  }
0xa5: {  	s26 =	simm.s32 $execute0_lowered;
	[smem:$0x3FD2] =	sst s25  }
0xa6: {  	s5 =	sshll.u32 s26, $0x1;
	_ =	strace $0x80000046;
	[dreg:$0x1] =	wrdreg $0xFFFFFFFF  }
0xa7: {  	s28 =	simm.s32 $_size_execute0_lowered;
	s3 =	sadd.s32 s3, s5;
	[dreg:$0x0] =	wrdreg $0x0  }
0xa8: {  	s5 =	sshll.u32 s28, $0x1;
	[dreg:$0x2] =	wrdreg s3  }
0xa9: {  	[dreg:$0x3] =	wrdreg s5  }
0xaa: {  	[dreg:$0x4] =	wrdreg $0xC0  }
0xab: {  	_ =	task [dreg:s7], $0x5FFFF  }
0xac: {  	[dreg:$0x1] =	wrdreg $0xFFFFFFFF  }
0xad: {  	[dreg:$0x0] =	wrdreg $0x60  }
0xae: {  	[dreg:$0x2] =	wrdreg s2  }
0xaf: {  	[dreg:$0x3] =	wrdreg s24  }
0xb0: {  	[dreg:$0x4] =	wrdreg $0x9  }
0xb1: {  	_ =	task.clear_ibuf [dreg:s7], $0x5FFFF;
	_ =	strace $0x90000046  }
0xb2: {  	s29 =	simm.s32 $0x9;
	_ =	strace $0x80000048  }
0xb3: {  	_ =	swait.ge [sflag:s29], $0x1  }
0xb4: {  	[sflag:s29] =	ssyncadd.s32 $0xFFFFFFFF  }
0xb5: {  	_ =	strace $0x90000048  }
0xb6: {  	_ =	sfence  }
0xb7: {  	s30 =	sld [smem:$0x0];
	_ =	sdelay $0x2  }
0xb8: {  	s31 =	sshll.u32 s1, $0xD;
	s1 =	sshrl.u32 s1, $0x2  }
0xb9: {  	s3 =	sand.u32 $0x4000, s31;
	s1 =	sadd.s32 s1, s30  }
0xba: {  	s0 =	sor.u32 s3, s0;
	s1 =	sshll.u32 s1, $0x11  }
0xbb: {  	s0 =	sor.u32 s1, s0  }
0xbc: {  	s0 =	sadd.s32 $0x8F2B, s0  }
0xbd: {  	[sflag:s0] =	ssyncadd.remote.s32 $0x1  }
0xbe: {  	_ =	sfence.sel $0xFFFF  }
0xbf: {  	[dreg:$0x0] =	wrdreg $0xFFFFFFFF;
	(pc) =	sbr.abs _section_cstart, $3  }
0xc0: {  	[dreg:$0x1] =	wrdreg $0xFFFFFFFF  }
0xc1: {  	_ =	task.clear_ibuf [dreg:s7], $0x2FFFF;
	_ =	strace $0x9FFFFFFF  }
0xc2: {  	(tm) =	ssettm $0x7FFFFFFF  }
0xc3: {  	_ =	shalt  }
tec
execute0_lowered:
.L_overlay_start_1:
0x0: {  	(tag) =	ssettag $0x1  }
0x1: {  	s0 =	rddreg [dreg:$0x0]  }
0x2: {  	s1 =	rddreg [dreg:$0x1]  }
0x3: {  	s2 =	srdreg.scid;
	s10 =	stileid.u32  }
0x4: {  	s29 =	simm.s32 $0x400;
	s28 =	simm.s32 $0x10800;
	s30 =	simm.s32 $0x14800  }
0x5: {  	s31 =	simm.s32 $0x1AC00;
	s11 =	simm.s32 $0x8;
	s12 =	simm.s32 $0x0  }
0x6: {  	s4 =	sand.u32 $0x1, s2;
	s2 =	simm.s32 $0x0;
	s3 =	sshll.u32 s10, $0x8  }
0x7: {  	s21 =	smul.u32 $0xC8000, s10;
	s10 =	simm.s32 $0x4;
	s5 =	sshll.u32 s4, $0x7  }
0x8: {  	[smem:$0x7FF] =	sst s2;
	s7 =	ssub.s32 $0x2, s4;
	s4 =	smul.u32 $0x64000, s4  }
0x9: {  	s5 =	sor.u32 s5, s3;
	_ =	strace $0x80000047;
	s3 =	sadd.s32 $0xF43000, s1  }
0xa: {  	s1 =	sadd.s32 $0xC00, s1;
	s8 =	sshrl.u32 s7, $0x1;
	s6 =	smul.u32 $0x6400, s5  }
0xb: {  	s9 =	smul.u32 $0xC80, s5;
	s7 =	ssub.s32 s7, s8;
	s5 =	sshll.u32 s5, $0x5  }
0xc: {  	s8 =	simm.s32 $0x3;
	s5 =	sadd.s32 s0, s5;
	s0 =	sadd.s32 s21, s1  }
0xd: {  	s26 =	smax.u32 s7, $0x1;
	s7 =	simm.s32 $0x6;
	[dreg:$0x3] =	wrdreg s5  }
0xe: {  	s6 =	sshrl.u32 s6, $0x3;
	s17 =	sadd.s32 s1, s9;
	[dreg:$0xd] =	wrdreg s26  }
0xf: {  	s5 =	sadd.s32 $0x800, s5;
	s6 =	sadd.s32 s1, s6;
	[dreg:$0x4] =	wrdreg s17  }
0x10: {  	s0 =	sadd.s32 s4, s0;
	[dreg:$0x8] =	wrdreg s5;
	s18 =	sadd.s32 $0x2FA80, s6  }
0x11: {  	s9 =	simm.s32 $0x7;
	s19 =	sadd.s32 $0x30700, s6;
	[dreg:$0x5] =	wrdreg s18  }
0x12: {  	s15 =	sadd.s32 $0x1900, s0;
	s20 =	sadd.s32 $0x31380, s6;
	[dreg:$0x6] =	wrdreg s19  }
0x13: {  	s4 =	sadd.s32 $0x34580, s0;
	s22 =	sadd.s32 $0x60E00, s6;
	[dreg:$0x7] =	wrdreg s20  }
0x14: {  	s17 =	simm.s32 $0x9;
	s23 =	sadd.s32 $0x61A80, s6;
	[dreg:$0x9] =	wrdreg s22  }
0x15: {  	s0 =	simm.s32 $0x16C00;
	s24 =	sadd.s32 $0x62700, s6;
	[dreg:$0xa] =	wrdreg s23  }
0x16: {  	s1 =	simm.s32 $0x1;
	s25 =	sadd.s32 $0x63380, s6;
	[dreg:$0xb] =	wrdreg s24  }
0x17: {  	s5 =	simm.s32 $0x5;
	s6 =	simm.s32 $0x2;
	[dreg:$0xc] =	wrdreg s25  }
0x18: {  	s18 =	simm.s32 $0x80;
	s19 =	simm.s32 $0x4000;
	s20 =	simm.s32 $0x48  }
0x19: {  	s22 =	simm.s32 $0x8000;
	s23 =	simm.s32 $0xA400;
	s25 =	simm.s32 $0xE400  }
.LBB2_1:
0x1a: {  	s13 =	rddreg [dreg:$0x3]  }
0x1b: {  	[tilespmem:s2], [sflag:$0x9] =	stream.linear.gather [hbm4b:s13+s2], $0x4000, $0x38;
	[tilespmem:$0x1D000] =	vst v63  }
0x1c: {  	_ =	swait.ge [sflag:s17], $0x4000  }
0x1d: {  	[sflag:s17] =	ssyncset.done $0x0  }
0x1e: {  	[sflag:s17] =	ssyncadd.s32 $0xFFFFC000  }
0x1f: {  	[tilespmem:s19], [sflag:$0x1] =	stream.indirect.gather [hbm4b:s3+s18], $0x80, s2, s18, $0xb8;
	[tilespmem:$0x1D000] =	vst v63  }
0x20: {  	_ = 	snop  }
0x21: {  	[tilespmem:s22], [sflag:$0x1] =	stream.indirect.gather [hbm4b:s3+s20], $0x80, s29, s20, $0xb8;
	[tilespmem:$0x1D000] =	vst v63  }
0x22: {  	_ = 	snop  }
0x23: {  	[tilespmem:s23], [sflag:$0x2] =	stream.indirect.gather [hbm4b:s3+s18], $0x80, s18, s18, $0xb8;
	[tilespmem:$0x1D000] =	vst v63  }
0x24: {  	s14 =	simm.s32 $0x480  }
0x25: {  	[tilespmem:s25], [sflag:$0x2] =	stream.indirect.gather [hbm4b:s3+s20], $0x80, s14, s20, $0xb8;
	[tilespmem:$0x1D000] =	vst v63  }
0x26: {  	s16 =	simm.s32 $0x100  }
0x27: {  	[tilespmem:s28], [sflag:$0x3] =	stream.indirect.gather [hbm4b:s3+s18], $0x80, s16, s18, $0xb8;
	[tilespmem:$0x1D000] =	vst v63  }
0x28: {  	s21 =	simm.s32 $0x500  }
0x29: {  	[tilespmem:s30], [sflag:$0x3] =	stream.indirect.gather [hbm4b:s3+s20], $0x80, s21, s20, $0xb8;
	[tilespmem:$0x1D000] =	vst v63  }
0x2a: {  	s24 =	simm.s32 $0x180  }
0x2b: {  	[tilespmem:s0], [sflag:$0x4] =	stream.indirect.gather [hbm4b:s3+s18], $0x80, s24, s18, $0xb8;
	[tilespmem:$0x1D000] =	vst v63  }
0x2c: {  	s26 =	simm.s32 $0x580  }
0x2d: {  	[tilespmem:s31], [sflag:$0x4] =	stream.indirect.gather [hbm4b:s3+s20], $0x80, s26, s20, $0xb8;
	[tilespmem:$0x1D000] =	vst v63  }
0x2e: {  	_ =	swait.ge [sflag:s1], $0x6400  }
0x2f: {  	[sflag:s1] =	ssyncset.done $0x0  }
0x30: {  	s14 =	rddreg [dreg:$0x4];
	[sflag:s1] =	ssyncadd.s32 $0xFFFF9C00  }
0x31: {  	[hbm4b:s14+s2] =	stream.linear.scatter [tilespmem:s19], [sflag:$0x5], $0x6400, $0x38;
	[tilespmem:$0x1D000] =	vst v63  }
0x32: {  	s16 =	simm.s32 $0x400;
	s14 =	simm.s32 $0x200;
	_ =	swait.ge [sflag:s5], $0x6400  }
0x33: {  	s13 =	sand.u32 $0x3800, s16;
	s14 =	sand.u32 $0x200, s14;
	[sflag:s5] =	ssyncset.done $0x0  }
0x34: {  	s13 =	sor.u32 s14, s13;
	[sflag:s5] =	ssyncadd.s32 $0xFFFF9C00  }
0x35: {  	[tilespmem:s19], [sflag:$0x1] =	stream.indirect.gather [hbm4b:s3+s18], $0x80, s13, s18, $0xb8;
	[tilespmem:$0x1D000] =	vst v63  }
0x36: {  	s13 =	sor.u32 $0x400, s13  }
0x37: {  	[tilespmem:s22], [sflag:$0x1] =	stream.indirect.gather [hbm4b:s3+s20], $0x80, s13, s20, $0xb8;
	[tilespmem:$0x1D000] =	vst v63  }
0x38: {  	_ =	swait.ge [sflag:s6], $0x6400  }
0x39: {  	[sflag:s6] =	ssyncset.done $0x0  }
0x3a: {  	s21 =	sadd.s32 $0xFFFFF380, s15;
	[sflag:s6] =	ssyncadd.s32 $0xFFFF9C00  }
0x3b: {  	[hbm4b:s21+s2] =	stream.linear.scatter [tilespmem:s23], [sflag:$0x6], $0x6400, $0x38;
	[tilespmem:$0x1D000] =	vst v63  }
0x3c: {  	s24 =	simm.s32 $0x500;
	s26 =	simm.s32 $0x280;
	_ =	swait.ge [sflag:s7], $0x6400  }
0x3d: {  	s14 =	sand.u32 $0x280, s26;
	s13 =	sand.u32 $0x3800, s24;
	[sflag:s7] =	ssyncset.done $0x0  }
0x3e: {  	s13 =	sor.u32 s14, s13;
	[sflag:s7] =	ssyncadd.s32 $0xFFFF9C00  }
0x3f: {  	[tilespmem:s23], [sflag:$0x2] =	stream.indirect.gather [hbm4b:s3+s18], $0x80, s13, s18, $0xb8;
	[tilespmem:$0x1D000] =	vst v63  }
0x40: {  	s13 =	sor.u32 $0x400, s13  }
0x41: {  	[tilespmem:s25], [sflag:$0x2] =	stream.indirect.gather [hbm4b:s3+s20], $0x80, s13, s20, $0xb8;
	[tilespmem:$0x1D000] =	vst v63  }
0x42: {  	_ =	swait.ge [sflag:s8], $0x6400  }
0x43: {  	[sflag:s8] =	ssyncset.done $0x0  }
0x44: {  	[sflag:s8] =	ssyncadd.s32 $0xFFFF9C00  }
0x45: {  	[hbm4b:s15+s2] =	stream.linear.scatter [tilespmem:s28], [sflag:$0x7], $0x6400, $0x38;
	[tilespmem:$0x1D000] =	vst v63  }
0x46: {  	s16 =	simm.s32 $0x300;
	s14 =	simm.s32 $0x600;
	_ =	swait.ge [sflag:s9], $0x6400  }
0x47: {  	s13 =	sand.u32 $0x3800, s14;
	s14 =	sand.u32 $0x300, s16;
	[sflag:s9] =	ssyncset.done $0x0  }
0x48: {  	s13 =	sor.u32 s14, s13;
	[sflag:s9] =	ssyncadd.s32 $0xFFFF9C00  }
0x49: {  	[tilespmem:s28], [sflag:$0x3] =	stream.indirect.gather [hbm4b:s3+s18], $0x80, s13, s18, $0xb8;
	[tilespmem:$0x1D000] =	vst v63  }
0x4a: {  	s13 =	sor.u32 $0x400, s13  }
0x4b: {  	[tilespmem:s30], [sflag:$0x3] =	stream.indirect.gather [hbm4b:s3+s20], $0x80, s13, s20, $0xb8;
	[tilespmem:$0x1D000] =	vst v63  }
0x4c: {  	_ =	swait.ge [sflag:s10], $0x6400  }
0x4d: {  	[sflag:s10] =	ssyncset.done $0x0  }
0x4e: {  	s21 =	sadd.s32 $0xC80, s15;
	[sflag:s10] =	ssyncadd.s32 $0xFFFF9C00  }
0x4f: {  	[hbm4b:s21+s2] =	stream.linear.scatter [tilespmem:s0], [sflag:$0x8], $0x6400, $0x38;
	[tilespmem:$0x1D000] =	vst v63  }
0x50: {  	s26 =	simm.s32 $0x700;
	s24 =	simm.s32 $0x380;
	_ =	swait.ge [sflag:s11], $0x6400  }
0x51: {  	s14 =	sand.u32 $0x3800, s26;
	s13 =	sand.u32 $0x380, s24;
	[sflag:s11] =	ssyncset.done $0x0  }
0x52: {  	s13 =	sor.u32 s13, s14;
	[sflag:s11] =	ssyncadd.s32 $0xFFFF9C00  }
0x53: {  	[tilespmem:s0], [sflag:$0x4] =	stream.indirect.gather [hbm4b:s3+s18], $0x80, s13, s18, $0xb8;
	[tilespmem:$0x1D000] =	vst v63  }
0x54: {  	s13 =	sor.u32 $0x400, s13  }
0x55: {  	[tilespmem:s31], [sflag:$0x4] =	stream.indirect.gather [hbm4b:s3+s20], $0x80, s13, s20, $0xb8;
	[tilespmem:$0x1D000] =	vst v63  }
0x56: {  	_ =	swait.ge [sflag:s1], $0x6400  }
0x57: {  	s16 =	sadd.s32 $0x1900, s15;
	s14 =	simm.s32 $0xB00;
	[sflag:s1] =	ssyncset.done $0x0  }
0x58: {  	s21 =	sadd.s32 $0x3200, s15;
	s13 =	simm.s32 $0x580;
	[sflag:s1] =	ssyncadd.s32 $0xFFFF9C00  }
.LBB2_2:
0x59: {  	[hbm4b:s16+s2] =	stream.linear.scatter [tilespmem:s19], [sflag:$0x5], $0x6400, $0x38;
	[tilespmem:$0x1D000] =	vst v63  }
0x5a: {  	s16 =	sadd.s32 $0xFFFFFD00, s14;
	s24 =	sadd.s32 $0xFFFFFE80, s13;
	_ =	swait.ge [sflag:s5], $0x6400  }
0x5b: {  	s16 =	sand.u32 $0x3800, s16;
	s24 =	sand.u32 $0x200, s24;
	[sflag:s5] =	ssyncset.done $0x0  }
0x5c: {  	p0 =	sne.s32 s13, $0x1F80;
	s16 =	sor.u32 s24, s16;
	[sflag:s5] =	ssyncadd.s32 $0xFFFF9C00  }
0x5d: {  	[tilespmem:s19], [sflag:$0x1] =	stream.indirect.gather [hbm4b:s3+s18], $0x80, s16, s18, $0xb8;
	[tilespmem:$0x1D000] =	vst v63  }
0x5e: {  	s24 =	sor.u32 $0x400, s16;
	s16 =	smov.u32 s13;
	s13 =	sadd.s32 $0x200, s13  }
0x5f: {  	[tilespmem:s22], [sflag:$0x1] =	stream.indirect.gather [hbm4b:s3+s20], $0x80, s24, s20, $0xb8;
	[tilespmem:$0x1D000] =	vst v63  }
0x60: {  	_ =	swait.ge [sflag:s6], $0x6400  }
0x61: {  	[sflag:s6] =	ssyncset.done $0x0  }
0x62: {  	s24 =	sadd.s32 $0xFFFFF380, s21;
	[sflag:s6] =	ssyncadd.s32 $0xFFFF9C00  }
0x63: {  	[hbm4b:s24+s2] =	stream.linear.scatter [tilespmem:s23], [sflag:$0x6], $0x6400, $0x38;
	[tilespmem:$0x1D000] =	vst v63  }
0x64: {  	s26 =	sadd.s32 $0xFFFFFF00, s16;
	s24 =	sadd.s32 $0xFFFFFE00, s14;
	_ =	swait.ge [sflag:s7], $0x6400  }
0x65: {  	s26 =	sand.u32 $0x280, s26;
	s24 =	sand.u32 $0x3800, s24;
	[sflag:s7] =	ssyncset.done $0x0  }
0x66: {  	s24 =	sor.u32 s26, s24;
	[sflag:s7] =	ssyncadd.s32 $0xFFFF9C00  }
0x67: {  	[tilespmem:s23], [sflag:$0x2] =	stream.indirect.gather [hbm4b:s3+s18], $0x80, s24, s18, $0xb8;
	[tilespmem:$0x1D000] =	vst v63  }
0x68: {  	s24 =	sor.u32 $0x400, s24  }
0x69: {  	[tilespmem:s25], [sflag:$0x2] =	stream.indirect.gather [hbm4b:s3+s20], $0x80, s24, s20, $0xb8;
	[tilespmem:$0x1D000] =	vst v63  }
0x6a: {  	_ =	swait.ge [sflag:s8], $0x6400  }
0x6b: {  	[sflag:s8] =	ssyncset.done $0x0  }
0x6c: {  	[sflag:s8] =	ssyncadd.s32 $0xFFFF9C00  }
0x6d: {  	[hbm4b:s21+s2] =	stream.linear.scatter [tilespmem:s28], [sflag:$0x7], $0x6400, $0x38;
	[tilespmem:$0x1D000] =	vst v63  }
0x6e: {  	s26 =	sadd.s32 $0xFFFFFF80, s16;
	s24 =	sadd.s32 $0xFFFFFF00, s14;
	_ =	swait.ge [sflag:s9], $0x6400  }
0x6f: {  	s26 =	sand.u32 $0x300, s26;
	s24 =	sand.u32 $0x3800, s24;
	[sflag:s9] =	ssyncset.done $0x0  }
0x70: {  	s24 =	sor.u32 s26, s24;
	[sflag:s9] =	ssyncadd.s32 $0xFFFF9C00  }
0x71: {  	[tilespmem:s28], [sflag:$0x3] =	stream.indirect.gather [hbm4b:s3+s18], $0x80, s24, s18, $0xb8;
	[tilespmem:$0x1D000] =	vst v63  }
0x72: {  	s24 =	sor.u32 $0x400, s24  }
0x73: {  	[tilespmem:s30], [sflag:$0x3] =	stream.indirect.gather [hbm4b:s3+s20], $0x80, s24, s20, $0xb8;
	[tilespmem:$0x1D000] =	vst v63  }
0x74: {  	_ =	swait.ge [sflag:s10], $0x6400  }
0x75: {  	[sflag:s10] =	ssyncset.done $0x0  }
0x76: {  	s24 =	sadd.s32 $0xC80, s21;
	[sflag:s10] =	ssyncadd.s32 $0xFFFF9C00  }
0x77: {  	[hbm4b:s24+s2] =	stream.linear.scatter [tilespmem:s0], [sflag:$0x8], $0x6400, $0x38;
	[tilespmem:$0x1D000] =	vst v63  }
0x78: {  	_ =	swait.ge [sflag:s11], $0x6400  }
0x79: {  	s16 =	sand.u32 $0x380, s16;
	s24 =	sand.u32 $0x3800, s14;
	[sflag:s11] =	ssyncset.done $0x0  }
0x7a: {  	s16 =	sor.u32 s16, s24;
	[sflag:s11] =	ssyncadd.s32 $0xFFFF9C00  }
0x7b: {  	[tilespmem:s0], [sflag:$0x4] =	stream.indirect.gather [hbm4b:s3+s18], $0x80, s16, s18, $0xb8;
	[tilespmem:$0x1D000] =	vst v63  }
.Ltmp0:
0x7c: {  	s16 =	sor.u32 $0x400, s16;
	(pc) =	sbr.rel @p0 .LBB2_2-.Ltmp0, $4  }
0x7d: {  	[tilespmem:s31], [sflag:$0x4] =	stream.indirect.gather [hbm4b:s3+s20], $0x80, s16, s20, $0xb8;
	[tilespmem:$0x1D000] =	vst v63  }
0x7e: {  	_ =	swait.ge [sflag:s1], $0x6400  }
0x7f: {  	s14 =	sadd.s32 $0x400, s14;
	[sflag:s1] =	ssyncset.done $0x0  }
0x80: {  	s16 =	sadd.s32 $0x1900, s21;
	s21 =	sadd.s32 $0x3200, s21;
	[sflag:s1] =	ssyncadd.s32 $0xFFFF9C00  }
0x81: {  	[hbm4b:s16+s2] =	stream.linear.scatter [tilespmem:s19], [sflag:$0x5], $0x6400, $0x38;
	[tilespmem:$0x1D000] =	vst v63  }
0x82: {  	_ =	swait.ge [sflag:s6], $0x6400  }
0x83: {  	[sflag:s6] =	ssyncset.done $0x0  }
0x84: {  	s13 =	simm.s32 $0x0;
	s14 =	rddreg [dreg:$0x5];
	[sflag:s6] =	ssyncadd.s32 $0xFFFF9C00  }
0x85: {  	[hbm4b:s14+s13] =	stream.linear.scatter [tilespmem:s23], [sflag:$0x6], $0x6400, $0x38;
	[tilespmem:$0x1D000] =	vst v63  }
0x86: {  	_ =	swait.ge [sflag:s8], $0x6400  }
0x87: {  	[sflag:s8] =	ssyncset.done $0x0  }
0x88: {  	s21 =	rddreg [dreg:$0x6];
	[sflag:s8] =	ssyncadd.s32 $0xFFFF9C00  }
0x89: {  	[hbm4b:s21+s13] =	stream.linear.scatter [tilespmem:s28], [sflag:$0x7], $0x6400, $0x38;
	[tilespmem:$0x1D000] =	vst v63  }
0x8a: {  	_ =	swait.ge [sflag:s10], $0x6400  }
0x8b: {  	[sflag:s10] =	ssyncset.done $0x0  }
0x8c: {  	s24 =	rddreg [dreg:$0x7];
	[sflag:s10] =	ssyncadd.s32 $0xFFFF9C00  }
0x8d: {  	[hbm4b:s24+s13] =	stream.linear.scatter [tilespmem:s0], [sflag:$0x8], $0x6400, $0x38;
	[tilespmem:$0x1D000] =	vst v63  }
0x8e: {  	s26 =	rddreg [dreg:$0x8]  }
0x8f: {  	[tilespmem:s13], [sflag:$0x9] =	stream.linear.gather [hbm4b:s26+s13], $0x4000, $0x38;
	[tilespmem:$0x1D000] =	vst v63  }
0x90: {  	_ =	swait.ge [sflag:s17], $0x4000  }
0x91: {  	[sflag:s17] =	ssyncset.done $0x0  }
0x92: {  	[sflag:s17] =	ssyncadd.s32 $0xFFFFC000  }
0x93: {  	_ =	swait.ge [sflag:s5], $0x6400  }
0x94: {  	[sflag:s5] =	ssyncset.done $0x0  }
0x95: {  	[sflag:s5] =	ssyncadd.s32 $0xFFFF9C00  }
0x96: {  	[tilespmem:s19], [sflag:$0x1] =	stream.indirect.gather [hbm4b:s3+s18], $0x80, s13, s18, $0xb8;
	[tilespmem:$0x1D000] =	vst v63  }
0x97: {  	_ = 	snop  }
0x98: {  	[tilespmem:s22], [sflag:$0x1] =	stream.indirect.gather [hbm4b:s3+s20], $0x80, s29, s20, $0xb8;
	[tilespmem:$0x1D000] =	vst v63  }
0x99: {  	_ =	swait.ge [sflag:s7], $0x6400  }
0x9a: {  	[sflag:s7] =	ssyncset.done $0x0  }
0x9b: {  	[sflag:s7] =	ssyncadd.s32 $0xFFFF9C00  }
0x9c: {  	[tilespmem:s23], [sflag:$0x2] =	stream.indirect.gather [hbm4b:s3+s18], $0x80, s18, s18, $0xb8;
	[tilespmem:$0x1D000] =	vst v63  }
0x9d: {  	s29 =	simm.s32 $0x480  }
0x9e: {  	[tilespmem:s25], [sflag:$0x2] =	stream.indirect.gather [hbm4b:s3+s20], $0x80, s29, s20, $0xb8;
	[tilespmem:$0x1D000] =	vst v63  }
0x9f: {  	_ =	swait.ge [sflag:s9], $0x6400  }
0xa0: {  	[sflag:s9] =	ssyncset.done $0x0  }
0xa1: {  	s16 =	simm.s32 $0x100;
	[sflag:s9] =	ssyncadd.s32 $0xFFFF9C00  }
0xa2: {  	[tilespmem:s28], [sflag:$0x3] =	stream.indirect.gather [hbm4b:s3+s18], $0x80, s16, s18, $0xb8;
	[tilespmem:$0x1D000] =	vst v63  }
0xa3: {  	s17 =	simm.s32 $0x500  }
0xa4: {  	[tilespmem:s30], [sflag:$0x3] =	stream.indirect.gather [hbm4b:s3+s20], $0x80, s17, s20, $0xb8;
	[tilespmem:$0x1D000] =	vst v63  }
0xa5: {  	s21 =	simm.s32 $0x2180;
	_ =	swait.ge [sflag:s11], $0x6400  }
0xa6: {  	s14 =	sand.u32 $0x380, s21;
	s13 =	sand.u32 $0x3800, s13;
	[sflag:s11] =	ssyncset.done $0x0  }
0xa7: {  	s13 =	sor.u32 s14, s13;
	[sflag:s11] =	ssyncadd.s32 $0xFFFF9C00  }
0xa8: {  	[tilespmem:s0], [sflag:$0x4] =	stream.indirect.gather [hbm4b:s3+s18], $0x80, s13, s18, $0xb8;
	[tilespmem:$0x1D000] =	vst v63  }
0xa9: {  	s13 =	sor.u32 $0x400, s13  }
0xaa: {  	[tilespmem:s31], [sflag:$0x4] =	stream.indirect.gather [hbm4b:s3+s20], $0x80, s13, s20, $0xb8;
	[tilespmem:$0x1D000] =	vst v63  }
0xab: {  	_ =	swait.ge [sflag:s1], $0x6400  }
0xac: {  	[sflag:s1] =	ssyncset.done $0x0  }
0xad: {  	s24 =	sadd.s32 $0xFFFFDA80, s4;
	[sflag:s1] =	ssyncadd.s32 $0xFFFF9C00  }
0xae: {  	[hbm4b:s24+s2] =	stream.linear.scatter [tilespmem:s19], [sflag:$0x5], $0x6400, $0x38;
	[tilespmem:$0x1D000] =	vst v63  }
0xaf: {  	s26 =	simm.s32 $0x200;
	s13 =	simm.s32 $0x400;
	_ =	swait.ge [sflag:s5], $0x6400  }
0xb0: {  	s14 =	sand.u32 $0x200, s26;
	s29 =	sand.u32 $0x3800, s13;
	[sflag:s5] =	ssyncset.done $0x0  }
0xb1: {  	s14 =	sor.u32 s14, s29;
	[sflag:s5] =	ssyncadd.s32 $0xFFFF9C00  }
0xb2: {  	[tilespmem:s19], [sflag:$0x1] =	stream.indirect.gather [hbm4b:s3+s18], $0x80, s14, s18, $0xb8;
	[tilespmem:$0x1D000] =	vst v63  }
0xb3: {  	s14 =	sor.u32 $0x400, s14  }
0xb4: {  	[tilespmem:s22], [sflag:$0x1] =	stream.indirect.gather [hbm4b:s3+s20], $0x80, s14, s20, $0xb8;
	[tilespmem:$0x1D000] =	vst v63  }
0xb5: {  	_ =	swait.ge [sflag:s6], $0x6400  }
0xb6: {  	[sflag:s6] =	ssyncset.done $0x0  }
0xb7: {  	s16 =	sadd.s32 $0xFFFFE700, s4;
	[sflag:s6] =	ssyncadd.s32 $0xFFFF9C00  }
0xb8: {  	[hbm4b:s16+s2] =	stream.linear.scatter [tilespmem:s23], [sflag:$0x6], $0x6400, $0x38;
	[tilespmem:$0x1D000] =	vst v63  }
0xb9: {  	s21 =	simm.s32 $0x280;
	s17 =	simm.s32 $0x500;
	_ =	swait.ge [sflag:s7], $0x6400  }
0xba: {  	s14 =	sand.u32 $0x3800, s17;
	s16 =	sand.u32 $0x280, s21;
	[sflag:s7] =	ssyncset.done $0x0  }
0xbb: {  	s14 =	sor.u32 s16, s14;
	[sflag:s7] =	ssyncadd.s32 $0xFFFF9C00  }
0xbc: {  	[tilespmem:s23], [sflag:$0x2] =	stream.indirect.gather [hbm4b:s3+s18], $0x80, s14, s18, $0xb8;
	[tilespmem:$0x1D000] =	vst v63  }
0xbd: {  	s14 =	sor.u32 $0x400, s14  }
0xbe: {  	[tilespmem:s25], [sflag:$0x2] =	stream.indirect.gather [hbm4b:s3+s20], $0x80, s14, s20, $0xb8;
	[tilespmem:$0x1D000] =	vst v63  }
0xbf: {  	_ =	swait.ge [sflag:s8], $0x6400  }
0xc0: {  	[sflag:s8] =	ssyncset.done $0x0  }
0xc1: {  	s24 =	sadd.s32 $0xFFFFF380, s4;
	[sflag:s8] =	ssyncadd.s32 $0xFFFF9C00  }
0xc2: {  	[hbm4b:s24+s2] =	stream.linear.scatter [tilespmem:s28], [sflag:$0x7], $0x6400, $0x38;
	[tilespmem:$0x1D000] =	vst v63  }
0xc3: {  	s26 =	simm.s32 $0x600;
	s29 =	simm.s32 $0x300;
	_ =	swait.ge [sflag:s9], $0x6400  }
0xc4: {  	s16 =	sand.u32 $0x300, s29;
	s14 =	sand.u32 $0x3800, s26;
	[sflag:s9] =	ssyncset.done $0x0  }
0xc5: {  	s14 =	sor.u32 s16, s14;
	[sflag:s9] =	ssyncadd.s32 $0xFFFF9C00  }
0xc6: {  	[tilespmem:s28], [sflag:$0x3] =	stream.indirect.gather [hbm4b:s3+s18], $0x80, s14, s18, $0xb8;
	[tilespmem:$0x1D000] =	vst v63  }
0xc7: {  	s14 =	sor.u32 $0x400, s14  }
0xc8: {  	[tilespmem:s30], [sflag:$0x3] =	stream.indirect.gather [hbm4b:s3+s20], $0x80, s14, s20, $0xb8;
	[tilespmem:$0x1D000] =	vst v63  }
0xc9: {  	_ =	swait.ge [sflag:s10], $0x6400  }
0xca: {  	s21 =	sadd.s32 $0x3200, s4;
	[sflag:s10] =	ssyncset.done $0x0  }
0xcb: {  	s16 =	smov.u32 s4;
	s14 =	simm.s32 $0x2380;
	[sflag:s10] =	ssyncadd.s32 $0xFFFF9C00  }
.LBB2_4:
0xcc: {  	[hbm4b:s16+s2] =	stream.linear.scatter [tilespmem:s0], [sflag:$0x8], $0x6400, $0x38;
	[tilespmem:$0x1D000] =	vst v63  }
0xcd: {  	s24 =	smov.u32 s14;
	s26 =	smov.u32 s13;
	s16 =	smov.u32 s21  }
0xce: {  	p0 =	sne.s32 s14, $0x3D80;
	s14 =	sadd.s32 $0x200, s14;
	_ =	swait.ge [sflag:s11], $0x6400  }
0xcf: {  	s29 =	sand.u32 $0x3800, s13;
	s17 =	sand.u32 $0x380, s24;
	[sflag:s11] =	ssyncset.done $0x0  }
0xd0: {  	s17 =	sor.u32 s17, s29;
	[sflag:s11] =	ssyncadd.s32 $0xFFFF9C00  }
0xd1: {  	[tilespmem:s0], [sflag:$0x4] =	stream.indirect.gather [hbm4b:s3+s18], $0x80, s17, s18, $0xb8;
	[tilespmem:$0x1D000] =	vst v63  }
0xd2: {  	s17 =	sor.u32 $0x400, s17  }
0xd3: {  	[tilespmem:s31], [sflag:$0x4] =	stream.indirect.gather [hbm4b:s3+s20], $0x80, s17, s20, $0xb8;
	[tilespmem:$0x1D000] =	vst v63  }
0xd4: {  	_ =	swait.ge [sflag:s1], $0x6400  }
0xd5: {  	[sflag:s1] =	ssyncset.done $0x0  }
0xd6: {  	s17 =	sadd.s32 $0xFFFFDA80, s21;
	[sflag:s1] =	ssyncadd.s32 $0xFFFF9C00  }
0xd7: {  	[hbm4b:s17+s2] =	stream.linear.scatter [tilespmem:s19], [sflag:$0x5], $0x6400, $0x38;
	[tilespmem:$0x1D000] =	vst v63  }
0xd8: {  	s13 =	sadd.s32 $0x400, s13;
	s17 =	sadd.s32 $0xFFFFE080, s24;
	_ =	swait.ge [sflag:s5], $0x6400  }
0xd9: {  	s29 =	sand.u32 $0x3800, s13;
	s17 =	sand.u32 $0x200, s17;
	[sflag:s5] =	ssyncset.done $0x0  }
0xda: {  	s17 =	sor.u32 s17, s29;
	[sflag:s5] =	ssyncadd.s32 $0xFFFF9C00  }
0xdb: {  	[tilespmem:s19], [sflag:$0x1] =	stream.indirect.gather [hbm4b:s3+s18], $0x80, s17, s18, $0xb8;
	[tilespmem:$0x1D000] =	vst v63  }
0xdc: {  	s17 =	sor.u32 $0x400, s17  }
0xdd: {  	[tilespmem:s22], [sflag:$0x1] =	stream.indirect.gather [hbm4b:s3+s20], $0x80, s17, s20, $0xb8;
	[tilespmem:$0x1D000] =	vst v63  }
0xde: {  	_ =	swait.ge [sflag:s6], $0x6400  }
0xdf: {  	[sflag:s6] =	ssyncset.done $0x0  }
0xe0: {  	s17 =	sadd.s32 $0xFFFFE700, s21;
	[sflag:s6] =	ssyncadd.s32 $0xFFFF9C00  }
0xe1: {  	[hbm4b:s17+s2] =	stream.linear.scatter [tilespmem:s23], [sflag:$0x6], $0x6400, $0x38;
	[tilespmem:$0x1D000] =	vst v63  }
0xe2: {  	s29 =	sadd.s32 $0xFFFFE100, s24;
	s17 =	sadd.s32 $0x500, s26;
	_ =	swait.ge [sflag:s7], $0x6400  }
0xe3: {  	s29 =	sand.u32 $0x280, s29;
	s17 =	sand.u32 $0x3800, s17;
	[sflag:s7] =	ssyncset.done $0x0  }
0xe4: {  	s17 =	sor.u32 s29, s17;
	[sflag:s7] =	ssyncadd.s32 $0xFFFF9C00  }
0xe5: {  	[tilespmem:s23], [sflag:$0x2] =	stream.indirect.gather [hbm4b:s3+s18], $0x80, s17, s18, $0xb8;
	[tilespmem:$0x1D000] =	vst v63  }
0xe6: {  	s17 =	sor.u32 $0x400, s17  }
0xe7: {  	[tilespmem:s25], [sflag:$0x2] =	stream.indirect.gather [hbm4b:s3+s20], $0x80, s17, s20, $0xb8;
	[tilespmem:$0x1D000] =	vst v63  }
0xe8: {  	_ =	swait.ge [sflag:s8], $0x6400  }
0xe9: {  	[sflag:s8] =	ssyncset.done $0x0  }
0xea: {  	s17 =	sadd.s32 $0xFFFFF380, s21;
	[sflag:s8] =	ssyncadd.s32 $0xFFFF9C00  }
0xeb: {  	[hbm4b:s17+s2] =	stream.linear.scatter [tilespmem:s28], [sflag:$0x7], $0x6400, $0x38;
	[tilespmem:$0x1D000] =	vst v63  }
0xec: {  	s24 =	sadd.s32 $0xFFFFE180, s24;
	s17 =	sadd.s32 $0x600, s26;
	_ =	swait.ge [sflag:s9], $0x6400  }
0xed: {  	s24 =	sand.u32 $0x300, s24;
	s17 =	sand.u32 $0x3800, s17;
	[sflag:s9] =	ssyncset.done $0x0  }
0xee: {  	s17 =	sor.u32 s24, s17;
	[sflag:s9] =	ssyncadd.s32 $0xFFFF9C00  }
0xef: {  	[tilespmem:s28], [sflag:$0x3] =	stream.indirect.gather [hbm4b:s3+s18], $0x80, s17, s18, $0xb8;
	[tilespmem:$0x1D000] =	vst v63  }
.Ltmp1:
0xf0: {  	s17 =	sor.u32 $0x400, s17;
	(pc) =	sbr.rel @p0 .LBB2_4-.Ltmp1, $4  }
0xf1: {  	[tilespmem:s30], [sflag:$0x3] =	stream.indirect.gather [hbm4b:s3+s20], $0x80, s17, s20, $0xb8;
	[tilespmem:$0x1D000] =	vst v63  }
0xf2: {  	_ =	swait.ge [sflag:s10], $0x6400  }
0xf3: {  	[sflag:s10] =	ssyncset.done $0x0  }
0xf4: {  	s21 =	sadd.s32 $0x3200, s21;
	[sflag:s10] =	ssyncadd.s32 $0xFFFF9C00  }
0xf5: {  	[hbm4b:s16+s2] =	stream.linear.scatter [tilespmem:s0], [sflag:$0x8], $0x6400, $0x38;
	[tilespmem:$0x1D000] =	vst v63  }
0xf6: {  	_ =	swait.ge [sflag:s11], $0x6400  }
0xf7: {  	[sflag:s11] =	ssyncset.done $0x0  }
0xf8: {  	s13 =	simm.s32 $0x3B80;
	[sflag:s11] =	ssyncadd.s32 $0xFFFF9C00  }
0xf9: {  	[tilespmem:s0], [sflag:$0x4] =	stream.indirect.gather [hbm4b:s3+s18], $0x80, s13, s18, $0xb8;
	[tilespmem:$0x1D000] =	vst v63  }
0xfa: {  	s14 =	simm.s32 $0x3F80  }
0xfb: {  	[tilespmem:s31], [sflag:$0x4] =	stream.indirect.gather [hbm4b:s3+s20], $0x80, s14, s20, $0xb8;
	[tilespmem:$0x1D000] =	vst v63  }
0xfc: {  	_ =	swait.ge [sflag:s1], $0x6400  }
0xfd: {  	[sflag:s1] =	ssyncset.done $0x0  }
0xfe: {  	s16 =	rddreg [dreg:$0x9];
	[sflag:s1] =	ssyncadd.s32 $0xFFFF9C00  }
0xff: {  	[hbm4b:s16+s2] =	stream.linear.scatter [tilespmem:s19], [sflag:$0x5], $0x6400, $0x38;
	[tilespmem:$0x1D000] =	vst v63  }
0x100: {  	_ =	swait.ge [sflag:s6], $0x6400  }
0x101: {  	[sflag:s6] =	ssyncset.done $0x0  }
0x102: {  	s17 =	rddreg [dreg:$0xa];
	[sflag:s6] =	ssyncadd.s32 $0xFFFF9C00  }
0x103: {  	[hbm4b:s17+s2] =	stream.linear.scatter [tilespmem:s23], [sflag:$0x6], $0x6400, $0x38;
	[tilespmem:$0x1D000] =	vst v63  }
0x104: {  	_ =	swait.ge [sflag:s8], $0x6400  }
0x105: {  	[sflag:s8] =	ssyncset.done $0x0  }
0x106: {  	s21 =	rddreg [dreg:$0xb];
	[sflag:s8] =	ssyncadd.s32 $0xFFFF9C00  }
0x107: {  	[hbm4b:s21+s2] =	stream.linear.scatter [tilespmem:s28], [sflag:$0x7], $0x6400, $0x38;
	[tilespmem:$0x1D000] =	vst v63  }
0x108: {  	_ =	swait.ge [sflag:s10], $0x6400  }
0x109: {  	[sflag:s10] =	ssyncset.done $0x0  }
0x10a: {  	s24 =	rddreg [dreg:$0xc];
	[sflag:s10] =	ssyncadd.s32 $0xFFFF9C00  }
0x10b: {  	[hbm4b:s24+s2] =	stream.linear.scatter [tilespmem:s0], [sflag:$0x8], $0x6400, $0x38;
	[tilespmem:$0x1D000] =	vst v63  }
0x10c: {  	_ =	swait.ge [sflag:s5], $0x6400  }
0x10d: {  	[sflag:s5] =	ssyncset.done $0x0  }
0x10e: {  	[sflag:s5] =	ssyncadd.s32 $0xFFFF9C00  }
0x10f: {  	_ =	swait.ge [sflag:s7], $0x6400  }
0x110: {  	[sflag:s7] =	ssyncset.done $0x0  }
0x111: {  	[sflag:s7] =	ssyncadd.s32 $0xFFFF9C00  }
0x112: {  	_ =	swait.ge [sflag:s9], $0x6400  }
0x113: {  	[sflag:s9] =	ssyncset.done $0x0  }
0x114: {  	[sflag:s9] =	ssyncadd.s32 $0xFFFF9C00  }
0x115: {  	_ =	swait.ge [sflag:s11], $0x6400  }
0x116: {  	s12 =	sadd.s32 $0x1, s12;
	s26 =	rddreg [dreg:$0xd]  }
0x117: {  	p0 =	sne.s32 s12, s26  }
.Ltmp2:
0x118: {  	_ = 	snop;
	(pc) =	sbr.rel @p0 .LBB2_1-.Ltmp2, $3  }
0x119: {  	_ =	sdelay $0x1  }
0x11a: {  	[sflag:s11] =	ssyncset.done $0x0  }
0x11b: {  	s29 =	simm.s32 $0x400;
	s17 =	simm.s32 $0x9;
	[sflag:s11] =	ssyncadd.s32 $0xFFFF9C00  }
0x11c: {  	_ =	sfence.sel $0x180000  }
0x11d: {  	[bflag:$0x0] =	sbarrier.arrive $0xFFFF  }
0x11e: {  	_ =	strace $0x90000047  }
0x11f: {  	s0 =	stileid.u32;
	[bflag:$0x2] =	sbarrier.arrive $0xFFFF  }
0x120: {  	p0 =	sne.s32 s0, $0x0;
	s0 =	rddreg [dreg:$0x2]  }
0x121: {  	s0 =	sadd.s32 @!p0 $0x100000, s0  }
0x122: {  	[sflag:s0] =	ssyncadd.tile.s32 @!p0 $0x1;
	_ =	shalt  }
.Lfunc_end2:
_tile_overlayer_lowered:
.L_overlay_start_2:
0x123: {  	(tag) =	ssettag $0x2  }
0x124: {  	s0 =	rddreg [dreg:$0x0];
	s2 =	stileid.u32  }
0x125: {  	s1 =	rddreg [dreg:$0x1];
	p0 =	sne.s32 s2, $0x0  }
0x126: {  	s3 =	rddreg [dreg:$0x2];
	[bflag:$0x3] =	sbarrier.arrive $0xFFFF;
	s2 =	simm.s32 @!p0 $0x1C09  }
0x127: {  	[timem:s3], [sflag:s2] =	dma.local @!p0 [hbm:s0], s1  }
0x128: {  	s0 =	simm.s32 @!p0 $0x9  }
0x129: {  	_ =	swait.ge @!p0 [sflag:s0], s1  }
0x12a: {  	s1 =	ssub.s32 @!p0 $0x0, s1;
	[sflag:s0] =	ssyncset.done @!p0 $0x0  }
0x12b: {  	[sflag:s0] =	ssyncadd.s32 @!p0 s1  }
0x12c: {  	[bflag:$0x3] =	sbarrier.arrive $0xFFFF  }
0x12d: {  	_ =	shalt  }

// kernel: sparse-core-data-format-call.cloned.1.call-start
scs
called_computation_lowered:
.L_overlay_start_0:
0x0: {  	s2 =	sld [smem:$0x3FD9]  }
0x1: {  	s3 =	sld [smem:$0x3FFE];
	_ =	sdelay $0x1  }
0x2: {  	s1 =	srdreg.scid  }
0x3: {  	s0 =	sand.u32 $0x1, s1  }
0x4: {  	s18 =	sshll.u32 s0, $0xA;
	s2 =	sadd.s32 s3, s2  }
0x5: {  	s2 =	sadd.s32 s2, s18  }
0x6: {  	[smem:$0x3FC6] =	sst s2  }
0x7: {  	_ = 	snop  }
0x8: {  	s2 =	sld [smem:$0x3FD0];
	(tm) =	ssettm $0x1  }
0x9: {  	s19 =	sld [smem:$0x3FFB];
	_ =	sdelay $0x3  }
0xa: {  	_ =	strace s19  }
0xb: {  	s3 =	sld [smem:$0x3FFC];
	_ =	sdelay $0x3  }
0xc: {  	_ =	strace s3  }
0xd: {  	s3 =	sld [smem:$0x3FFD];
	_ =	sdelay $0x3  }
0xe: {  	_ =	strace s3  }
0xf: {  	_ =	strace $0x8FFFFFFF  }
0x10: {  	s20 =	sld [smem:$0x3FDB];
	_ =	sdelay $0x1  }
0x11: {  	s4 =	simm.s32 $_scs_section_size  }
0x12: {  	s5 =	simm.s32 $_size__tile_overlayer_lowered;
	s6 =	simm.s32 $_tile_overlayer_lowered  }
0x13: {  	s23 =	simm.s32 $0x1BFF;
	s22 =	sshll.u32 s6, $0x1;
	s3 =	sadd.s32 s4, s20  }
0x14: {  	s7 =	simm.s32 $0x0;
	s21 =	sshll.u32 s5, $0x1;
	s5 =	sadd.s32 s22, s3  }
0x15: {  	[timem:s7], [sflag:s23] =	dma.local [hbm:s5], s21  }
0x16: {  	_ =	swait.ge [sflag:s23], s21  }
0x17: {  	s4 =	ssub.s32 $0x0, s21;
	[sflag:s23] =	ssyncset.done $0x0  }
0x18: {  	[sflag:s23] =	ssyncadd.s32 s4;
	_ =	sdelay $0x1  }
0x19: {  	s24 =	simm.s32 $0x1B8B  }
0x1a: {  	_ =	swait.ge [sflag:s24], $0x1  }
0x1b: {  	[sflag:s24] =	ssyncset.done $0x0  }
0x1c: {  	s26 =	simm.s32 $0x1B8E;
	s25 =	sld [smem:$0x3FFE];
	[sflag:s24] =	ssyncadd.s32 $0xFFFFFFFF  }
0x1d: {  	s27 =	simm.s32 $execute0_lowered;
	[smem:$0x3FD2] =	sst s26  }
0x1e: {  	s5 =	sshll.u32 s27, $0x1;
	_ =	strace $0x80000049;
	[dreg:$0x1] =	wrdreg $0xFFFFFFFF  }
0x1f: {  	s28 =	simm.s32 $_size_execute0_lowered;
	s3 =	sadd.s32 s3, s5;
	[dreg:$0x0] =	wrdreg $0x0  }
0x20: {  	s5 =	sshll.u32 s28, $0x1;
	[dreg:$0x2] =	wrdreg s3  }
0x21: {  	[dreg:$0x3] =	wrdreg s5  }
0x22: {  	[dreg:$0x4] =	wrdreg $0xC0  }
0x23: {  	_ =	task [dreg:s7], $0x5FFFF  }
0x24: {  	[dreg:$0x1] =	wrdreg $0xFFFFFFFF  }
0x25: {  	[dreg:$0x0] =	wrdreg $0x60  }
0x26: {  	[dreg:$0x2] =	wrdreg s25  }
0x27: {  	[dreg:$0x3] =	wrdreg s2  }
0x28: {  	[dreg:$0x4] =	wrdreg $0x9  }
0x29: {  	_ =	task.clear_ibuf [dreg:s7], $0x5FFFF;
	_ =	strace $0x90000049  }
0x2a: {  	s29 =	simm.s32 $0x9;
	_ =	strace $0x8000004B  }
0x2b: {  	_ =	swait.ge [sflag:s29], $0x1  }
0x2c: {  	[sflag:s29] =	ssyncadd.s32 $0xFFFFFFFF  }
0x2d: {  	_ =	strace $0x9000004B  }
0x2e: {  	_ =	sfence  }
0x2f: {  	s30 =	sld [smem:$0x0];
	_ =	sdelay $0x2  }
0x30: {  	s31 =	sshll.u32 s1, $0xD;
	s1 =	sshrl.u32 s1, $0x2  }
0x31: {  	s3 =	sand.u32 $0x4000, s31;
	s1 =	sadd.s32 s1, s30  }
0x32: {  	s0 =	sor.u32 s3, s0;
	s1 =	sshll.u32 s1, $0x11  }
0x33: {  	s0 =	sor.u32 s1, s0  }
0x34: {  	s0 =	sadd.s32 $0x8F2B, s0  }
0x35: {  	[sflag:s0] =	ssyncadd.remote.s32 $0x1  }
0x36: {  	_ =	sfence.sel $0xFFFF  }
0x37: {  	[dreg:$0x0] =	wrdreg $0xFFFFFFFF;
	(pc) =	sbr.abs _section_cstart, $3  }
0x38: {  	[dreg:$0x1] =	wrdreg $0xFFFFFFFF  }
0x39: {  	_ =	task.clear_ibuf [dreg:s7], $0x2FFFF;
	_ =	strace $0x9FFFFFFF  }
0x3a: {  	(tm) =	ssettm $0x7FFFFFFF  }
0x3b: {  	_ =	shalt  }
tec
execute0_lowered:
.L_overlay_start_1:
0x0: {  	(tag) =	ssettag $0x1  }
0x1: {  	s0 =	srdreg.scid  }
0x2: {  	s1 =	sshll.u32 s0, $0x4  }
0x3: {  	s0 =	stileid.u32;
	s1 =	sand.u32 $0x10, s1  }
0x4: {  	s1 =	sor.u32 s0, s1  }
0x5: {  	s6 =	rddreg [dreg:$0x0];
	s4 =	simm.s32 $0x1;
	s2 =	sshll.u32 s1, $0x7  }
0x6: {  	s7 =	simm.s32 $0x2;
	s12 =	simm.s32 $0x0;
	s1 =	ssub.s32 $0x1000, s2  }
0x7: {  	s8 =	simm.s32 $0x8000;
	s13 =	simm.s32 $0x0;
	s3 =	sand.u32 $0xF80, s1  }
0x8: {  	s9 =	simm.s32 $0x0;
	s5 =	sshrl.u32 s1, $0xC;
	p0 =	sne.s32 s3, $0x0  }
.Ltmp0:
0x9: {  	s1 =	rddreg [dreg:$0x2];
	s4 =	simm.s32 @!p0 $0x0;
	(pc) =	sbr.rel .LBB1_1-.Ltmp0, $4  }
0xa: {  	s11 =	simm.s32 $0x0;
	s3 =	rddreg [dreg:$0x1];
	s5 =	sadd.s32 s4, s5  }
0xb: {  	_ =	strace $0x8000004A;
	s4 =	simm.s32 $0x1;
	s5 =	smul.u32 $0xC8, s5  }
0xc: {  	s6 =	sadd.s32 $0xC00, s6;
	s10 =	smov.u32 s2;
	[sflag:s4] =	ssyncpa.u1 $0x0  }
0xd: {  	p0 =	por $0x0, $0x0;
	[sflag:s7] =	ssyncpa.u1 $0x0;
	s7 =	sor.u32 $0x1, s5  }
.LBB1_4:
0xe: {  	s16 =	sshll.u32 s13, $0x3;
	s17 =	sand.u32 $0x78, s13  }
0xf: {  	s30 =	sand.u32 $0x7E00, s13;
	s12 =	sshll.u32 s12, $0xF;
	s16 =	sand.u32 $0xC00, s16  }
0x10: {  	[tilespmem:s15+$0x810 ss:$0x81] =	vst.msk $0xffff, v2;
	s31 =	sand.u32 $0x7, s13;
	s16 =	sor.u32 s17, s16;
	s17 =	sadd.s32 s3, s30  }
0x11: {  	[tilespmem:s15+$0x1020 ss:$0x81] =	vst.msk $0xffff, v0;
	s13 =	sshll.u32 s31, $0x12;
	s12 =	sadd.s32 s12, s17;
	s16 =	sshrl.u32 s16, $0x3  }
0x12: {  	[tilespmem:s15+$0x0 ss:$0x81] =	vst.msk $0xffff, v1;
	s13 =	sor.u32 $0x400, s13;
	s12 =	sadd.s32 s16, s12  }
0x13: {  	[hbm4b:s12+s13] =	stream.strided.scatter [tilespmem:s14], [sflag:$0x2], $0x2000, s8, s13, $0x20;
	[tilespmem:$0x8080] =	vst v63  }
.LBB1_5:
0x14: {  	s14 =	sadd.s32 $0x1, s9  }
0x15: {  	s12 =	sadd.s32 $0x1000, s10;
	s16 =	smov.u32 s10;
	p2 =	sgt.s32 s14, $0xC7  }
0x16: {  	s16 =	smov.u32 @p2 s12  }
0x17: {  	s14 =	simm.s32 @p2 $0x0;
	p2 =	sgt.s32 s16, $0xFFF  }
0x18: {  	s16 =	smov.u32 @p2 s2;
	p2 =	sne.s32 s11, s7  }
.Ltmp1:
0x19: {  	p1 =	slt.u32 s11, $0x2;
	(pc) =	sbr.rel @!p2 .LBB1_6-.Ltmp1, $4  }
0x1a: {  	s15 =	simm.s32 @!p1 $0x2  }
0x1b: {  	s13 =	smov.u32 s10;
	p0 =	por !p0, !p0;
	_ =	swait.ge @!p1 [sflag:s15], $0x2000  }
0x1c: {  	s12 =	smov.u32 s9;
	[sflag:s15] =	ssyncset.done @!p1 $0x0;
	s9 =	smov.u32 s14  }
0x1d: {  	s11 =	sadd.s32 $0x1, s11;
	[sflag:s15] =	ssyncadd.s32 @!p1 $0xFFFFE000;
	s10 =	smov.u32 s16  }
.LBB1_1:
0x1e: {  	p1 =	sge.u32 s11, s5  }
0x1f: {  	s14 =	sand.u32 @!p1 $0x1FFFFFF, s9  }
0x20: {  	s15 =	smulhi.u32 @!p1 $0x147AE15, s14;
	_ =	sdelay $0x1  }
0x21: {  	s15 =	smul.u32 @!p1 $0xC8, s15  }
0x22: {  	s16 =	sxor.u32 @!p1 $0xFFFFFFFF, s11;
	s17 =	smul.u32 @!p1 $0xC80, s10  }
0x23: {  	s31 =	sadd.s32 $0xFFFFFFFF, s11;
	s16 =	sshll.u32 @!p1 s16, $0xD;
	s14 =	ssub.s32 @!p1 s14, s15  }
0x24: {  	s15 =	sand.u32 @!p1 $0x2000, s16;
	s16 =	sadd.s32 @!p1 s6, s17;
	s14 =	sshll.u32 @!p1 s14, $0x4  }
0x25: {  	s17 =	simm.s32 @!p1 $0x6400;
	s14 =	sadd.s32 @!p1 s14, s16;
	s16 =	simm.s32 @!p1 $0x40  }
0x26: {  	[tilespmem:s15], [sflag:$0x1] =	stream.strided.gather @!p1 [hbm4b:s14+s16], $0x2000, s17, s16, $0x38;
	[tilespmem:$0x8080] =	vst v63  }
0x27: {  	p1 =	sge.u32 s31, s5  }
.Ltmp2:
0x28: {  	_ = 	snop;
	(pc) =	sbr.rel @p1 .LBB1_5-.Ltmp2, $1  }
0x29: {  	_ =	sdelay $0x3  }
0x2a: {  	s14 =	simm.s32 $0x1  }
0x2b: {  	_ =	swait.ge [sflag:s4], $0x2000;
	s14 =	simm.s32 @!p0 $0x0  }
0x2c: {  	[sflag:s4] =	ssyncset.done $0x0;
	s15 =	sshll.u32 s14, $0xD  }
0x2d: {  	[sflag:s4] =	ssyncadd.s32 $0xFFFFE000;
	s18 =	sor.u32 $0x20, s15  }
0x2e: {  	s14 =	smul.u32 $0x8100, s14;
	v3 =	vld [tilespmem:s18+$0x10]  }
0x2f: {  	s30 =	sand.u32 $0x1, s11;
	v2 =	vld [tilespmem:s18+$0xFFFFFFF0]  }
0x30: {  	s15 =	smul.u32 $0x8100, s30;
	s14 =	sshrl.u32 s14, $0x2;
	v0 =	vld [tilespmem:s18+$0x0]  }
0x31: {  	v1 =	vld [tilespmem:s18+$0xFFFFFFE0];
	s16 =	sor.u32 $0x4000, s14  }
0x32: {  	s31 =	sshrl.u32 s15, $0x2;
	s15 =	sadd.s32 $0x0, s16  }
0x33: {  	s17 =	simm.s32 $0x4;
	s18 =	sadd.s32 $0x40, s18;
	s14 =	sor.u32 $0x4000, s31;
	[tilespmem:s15+$0x1830 ss:$0x81] =	vst.msk $0xffff, v3  }
.LBB1_3:
0x34: {  	v3 =	vld [tilespmem:s18+$0x10];
	p1 =	sne.s32 s17, $0x1FC;
	[tilespmem:s15+$0x810 ss:$0x81] =	vst.msk $0xffff, v2;
	s19 =	smov.u32 s17;
	s17 =	sadd.s32 $0x4, s17  }
.Ltmp3:
0x35: {  	v2 =	vld [tilespmem:s18+$0xFFFFFFF0];
	[tilespmem:s15+$0x1020 ss:$0x81] =	vst.msk $0xffff, v0;
	(pc) =	sbr.rel @p1 .LBB1_3-.Ltmp3, $4  }
0x36: {  	v0 =	vld [tilespmem:s18+$0x0];
	[tilespmem:s15+$0x0 ss:$0x81] =	vst.msk $0xffff, v1  }
0x37: {  	s15 =	sshra.s32 s19, $0x2;
	v1 =	vld [tilespmem:s18+$0xFFFFFFE0]  }
0x38: {  	s15 =	sadd.s32 s15, s16  }
0x39: {  	s18 =	sadd.s32 $0x40, s18;
	[tilespmem:s15+$0x1830 ss:$0x81] =	vst.msk $0xffff, v3  }
.Ltmp4:
0x3a: {  	_ = 	snop;
	(pc) =	sbr.rel .LBB1_4-.Ltmp4, $1  }
0x3b: {  	_ =	sdelay $0x3  }
.LBB1_6:
0x3c: {  	_ =	sfence.sel $0x180000  }
0x3d: {  	s2 =	simm.s32 $0x1;
	[bflag:$0x0] =	sbarrier.arrive $0xFFFF  }
0x3e: {  	s31 =	simm.s32 $0x2;
	[sflag:s2] =	ssyncpa.u1 $0x1  }
0x3f: {  	[sflag:s31] =	ssyncpa.u1 $0x1  }
0x40: {  	p0 =	sne.s32 s0, $0x0;
	_ =	strace $0x9000004A  }
0x41: {  	s0 =	sadd.s32 @!p0 $0x100000, s1;
	[bflag:$0x2] =	sbarrier.arrive $0xFFFF  }
0x42: {  	[sflag:s0] =	ssyncadd.tile.s32 @!p0 $0x1;
	_ =	shalt  }
.Lfunc_end1:
_tile_overlayer_lowered:
.L_overlay_start_2:
0x43: {  	(tag) =	ssettag $0x2  }
0x44: {  	s0 =	rddreg [dreg:$0x0];
	s2 =	stileid.u32  }
0x45: {  	s1 =	rddreg [dreg:$0x1];
	p0 =	sne.s32 s2, $0x0  }
0x46: {  	s3 =	rddreg [dreg:$0x2];
	[bflag:$0x3] =	sbarrier.arrive $0xFFFF;
	s2 =	simm.s32 @!p0 $0x1C01  }
0x47: {  	[timem:s3], [sflag:s2] =	dma.local @!p0 [hbm:s0], s1  }
0x48: {  	s0 =	simm.s32 @!p0 $0x1  }
0x49: {  	_ =	swait.ge @!p0 [sflag:s0], s1  }
0x4a: {  	s1 =	ssub.s32 @!p0 $0x0, s1;
	[sflag:s0] =	ssyncset.done @!p0 $0x0  }
0x4b: {  	[sflag:s0] =	ssyncadd.s32 @!p0 s1  }
0x4c: {  	[bflag:$0x3] =	sbarrier.arrive $0xFFFF  }
0x4d: {  	_ =	shalt  }

</sc_bundles>
